<compile_context>
chip_gen: v7x
topology: tpu7x:2x2x1
jax: 0.10.2.dev20260603
libtpu: 0.0.44.dev20260713+nightly
codegen_flags: <defaults>
</compile_context>

<pallas_src>
import functools

import jax
import jax.numpy as jnp
from jax import lax
from jax.experimental import pallas as pl
from jax.experimental.pallas import tpu as pltpu
from jax.experimental.pallas import tpu_sc as plsc

_V = 1_000_000
_D = 64
_DP = 128
_B = 4096 * 200
_BATCH = 4096
_SEQ = 200
_NC, _NS, _L = 2, 16, 16
_NW = _NC * _NS
_B_PER_W = _B // _NW
_CHUNK = 128
_N_CHUNKS = _B_PER_W // _CHUNK
_NBUF = 4
_N_ROUNDS = _N_CHUNKS // _NBUF
_SCALE = 8.0

@functools.cache
def _build_gather_sc():
    mesh = plsc.VectorSubcoreMesh(
        core_axis_name="c", subcore_axis_name="s",
        num_cores=_NC, num_subcores=_NS,
    )
    return functools.partial(
        pl.kernel,
        out_type=jax.ShapeDtypeStruct(
            (_NW, _N_CHUNKS, _CHUNK, _DP), jnp.float32),
        mesh=mesh,
        scratch_types=[
            pltpu.VMEM((_N_CHUNKS, _CHUNK), jnp.int32),
            [pltpu.VMEM((_CHUNK, _DP), jnp.float32) for _ in range(_NBUF)],
            [pltpu.SemaphoreType.DMA for _ in range(_NBUF)],
            [pltpu.SemaphoreType.DMA for _ in range(_NBUF)],
        ],
        compiler_params=pltpu.CompilerParams(use_tc_tiling_on_sc=False),
    )(_gather_sc_body)


def _gather_sc_body(idx_hbm, table_hbm, out_hbm, idx_v, rows, gsems, osems):
    wid = lax.axis_index("s") * _NC + lax.axis_index("c")
    pltpu.sync_copy(idx_hbm.at[wid], idx_v)

    def start_gather(j, b):
        pltpu.async_copy(table_hbm.at[idx_v.at[j]], rows[b], gsems[b])

    def wait_gather(j, b):
        pltpu.make_async_copy(table_hbm.at[idx_v.at[j]], rows[b], gsems[b]).wait()

    def start_out(j, b):
        pltpu.async_copy(rows[b], out_hbm.at[wid, j], osems[b])

    def wait_out(j, b):
        pltpu.make_async_copy(rows[b], out_hbm.at[wid, j], osems[b]).wait()

    for b in range(_NBUF):
        start_gather(b, b)

    def round_body(g, _):
        j0 = g * _NBUF
        for b in range(_NBUF):
            wait_gather(j0 + b, b)
            start_out(j0 + b, b)
        for b in range(_NBUF):
            wait_out(j0 + b, b)
            start_gather(j0 + _NBUF + b, b)
        return 0

    lax.fori_loop(0, _N_ROUNDS - 1, round_body, 0)

    j0 = (_N_ROUNDS - 1) * _NBUF
    for b in range(_NBUF):
        wait_gather(j0 + b, b)
        start_out(j0 + b, b)
    for b in range(_NBUF):
        wait_out(j0 + b, b)


_SBS = 4


def _finish_body(a_ref, o_ref):
    for k in range(_SBS):
        sub = a_ref[k * _BATCH:(k + 1) * _BATCH, :_D]
        o_ref[k] = jnp.transpose(sub, (1, 0)) * _SCALE


_finish_tc = pl.pallas_call(
    _finish_body,
    grid=(_SEQ // _SBS,),
    in_specs=[pl.BlockSpec((_SBS * _BATCH, _DP), lambda i: (i, 0))],
    out_specs=pl.BlockSpec((_SBS, _D, _BATCH), lambda i: (i, 0, 0)),
    out_shape=jax.ShapeDtypeStruct((_SEQ, _D, _BATCH), jnp.float32),
)


def kernel(x, embed):
    table = jnp.pad(embed, ((0, 0), (0, _DP - _D)))
    idx = x.T.reshape(_NW, _N_CHUNKS, _CHUNK).astype(jnp.int32)
    rows = _build_gather_sc()(idx, table)
    phys = _finish_tc(rows.reshape(_B, _DP))
    return jnp.transpose(phys, (2, 0, 1))

# --- scband reference (transcript-rebuilt; emitter-appended) ---
"""Pipeline reference for scband-text-embedding-12421045420255 (READ-ONLY COPY).

The authoritative reference and input builder live on the scoring server;
editing this copy changes nothing except your own understanding.
"""

import jax, jax.numpy as jnp
import numpy as np
import math

VOCAB = 1000000
D_MODEL = 64
BATCH = 4096
SEQ = 200

def setup_inputs(seed: int = 0) -> dict:
    key = jax.random.key(seed)
    k1, k2 = jax.random.split(key)
    x = jax.random.randint(k1, (BATCH, SEQ), 0, VOCAB)
    embed = jax.random.normal(k2, (VOCAB, D_MODEL), dtype=jnp.float32)
    return {"x": x, "embed": embed}

def reference(x, embed):
    # faithful to: self.embed(x) * math.sqrt(self.d_model)
    out = jnp.take(embed, x, axis=0) * math.sqrt(D_MODEL)
    return out

if __name__ == "__main__":
    import jax
    _d = setup_inputs()
    print(jax.jit(kernel)(*tuple(_d.values())))

</pallas_src>

<mosaic_0001>
#map = affine_map<(d0, d1) -> (0, 0, 0)>
#map1 = affine_map<(d0, d1) -> (0, 0)>
#map2 = affine_map<(d0, d1) -> (0, 0, 0, 0)>
module attributes {stable_mosaic.version = 14 : i64} {
  func.func @_gather_sc_body(%arg0: i32, %arg1: i32, %arg2: memref<32x200x128xi32, #tpu.memory_space<hbm>>, %arg3: memref<1000000x128xf32, #tpu.memory_space<hbm>>, %arg4: memref<32x200x128x128xf32, #tpu.memory_space<hbm>>, %arg5: memref<200x128xi32, #tpu.memory_space<vmem>>, %arg6: memref<128x128xf32, #tpu.memory_space<vmem>>, %arg7: memref<128x128xf32, #tpu.memory_space<vmem>>, %arg8: memref<128x128xf32, #tpu.memory_space<vmem>>, %arg9: memref<128x128xf32, #tpu.memory_space<vmem>>, %arg10: memref<!tpu.dma_semaphore, #tpu.memory_space<semaphore_mem>>, %arg11: memref<!tpu.dma_semaphore, #tpu.memory_space<semaphore_mem>>, %arg12: memref<!tpu.dma_semaphore, #tpu.memory_space<semaphore_mem>>, %arg13: memref<!tpu.dma_semaphore, #tpu.memory_space<semaphore_mem>>, %arg14: memref<!tpu.dma_semaphore, #tpu.memory_space<semaphore_mem>>, %arg15: memref<!tpu.dma_semaphore, #tpu.memory_space<semaphore_mem>>, %arg16: memref<!tpu.dma_semaphore, #tpu.memory_space<semaphore_mem>>, %arg17: memref<!tpu.dma_semaphore, #tpu.memory_space<semaphore_mem>>) attributes {dimension_semantics = [#tpu.dimension_semantics<core_parallel>, #tpu.dimension_semantics<subcore_parallel>], iteration_bounds = array<i64: 2, 16>, scalar_prefetch = 0 : i64, scratch_operands = 13 : i64, tpu.core_type = #tpu.core_type<sc_vector_subcore>, window_params = [{transform_indices = #map}, {transform_indices = #map1}, {transform_indices = #map2}]} {
    %mul3A = arith.constant 2 : i32
    %mul3A_0 = arith.muli %arg1, %mul3A : i32
    %add3A = arith.addi %mul3A_0, %arg0 : i32
    "tpu.region"() ({
      %run_scoped3A = tpu.sem_alloc : memref<!tpu.dma_semaphore, #tpu.memory_space<semaphore_mem>>
      %dma_start3A_133 = arith.constant 0 : i32
      %dma_start3A_134 = arith.constant 0 : i32
      %dma_start3A_135 = tpu.memref_slice %arg2[%add3A, %dma_start3A_133, %dma_start3A_134] : memref<32x200x128xi32, #tpu.memory_space<hbm>> -> memref<1x200x128xi32, #tpu.memory_space<hbm>>
      %dma_start3A_136 = tpu.memref_squeeze %dma_start3A_135 : memref<1x200x128xi32, #tpu.memory_space<hbm>> -> memref<200x128xi32, #tpu.memory_space<hbm>>
      %dma_start3A_137 = arith.constant 0 : i32
      %dma_start3A_138 = arith.constant 0 : i32
      %dma_start3A_139 = tpu.memref_slice %arg2[%add3A, %dma_start3A_137, %dma_start3A_138] : memref<32x200x128xi32, #tpu.memory_space<hbm>> -> memref<1x200x128xi32, #tpu.memory_space<hbm>>
      %dma_start3A_140 = tpu.memref_squeeze %dma_start3A_139 : memref<1x200x128xi32, #tpu.memory_space<hbm>> -> memref<200x128xi32, #tpu.memory_space<hbm>>
      tpu.enqueue_dma source(%dma_start3A_140 : memref<200x128xi32, #tpu.memory_space<hbm>>) target(%arg5 : memref<200x128xi32, #tpu.memory_space<vmem>>) target_semaphore(%run_scoped3A : memref<!tpu.dma_semaphore, #tpu.memory_space<semaphore_mem>>)
      %dma_wait3A_141 = arith.constant 0 : i32
      %dma_wait3A_142 = arith.constant 0 : i32
      %dma_wait3A_143 = tpu.memref_slice %arg2[%add3A, %dma_wait3A_141, %dma_wait3A_142] : memref<32x200x128xi32, #tpu.memory_space<hbm>> -> memref<1x200x128xi32, #tpu.memory_space<hbm>>
      %dma_wait3A_144 = tpu.memref_squeeze %dma_wait3A_143 : memref<1x200x128xi32, #tpu.memory_space<hbm>> -> memref<200x128xi32, #tpu.memory_space<hbm>>
      %dma_wait3A_145 = arith.constant 0 : i32
      %dma_wait3A_146 = arith.constant 0 : i32
      %dma_wait3A_147 = tpu.memref_slice %arg2[%add3A, %dma_wait3A_145, %dma_wait3A_146] : memref<32x200x128xi32, #tpu.memory_space<hbm>> -> memref<1x200x128xi32, #tpu.memory_space<hbm>>
      %dma_wait3A_148 = tpu.memref_squeeze %dma_wait3A_147 : memref<1x200x128xi32, #tpu.memory_space<hbm>> -> memref<200x128xi32, #tpu.memory_space<hbm>>
      tpu.wait_dma2 semaphore(%run_scoped3A : memref<!tpu.dma_semaphore, #tpu.memory_space<semaphore_mem>>) src(%dma_wait3A_148 : memref<200x128xi32, #tpu.memory_space<hbm>>) dst(%arg5 : memref<200x128xi32, #tpu.memory_space<vmem>>)
      tpu.yield
    }) : () -> ()
    %dma_start3A = arith.constant 0 : i32
    %dma_start3A_1 = arith.constant 0 : i32
    %dma_start3A_2 = tpu.memref_slice %arg5[%dma_start3A, %dma_start3A_1] : memref<200x128xi32, #tpu.memory_space<vmem>> -> memref<1x128xi32, #tpu.memory_space<vmem>>
    %dma_start3A_3 = tpu.memref_squeeze %dma_start3A_2 : memref<1x128xi32, #tpu.memory_space<vmem>> -> memref<128xi32, #tpu.memory_space<vmem>>
    %dma_start3A_4 = arith.constant 0 : i32
    %dma_start3A_5 = arith.constant 0 : i32
    %dma_start3A_6 = tpu.memref_slice %arg3[%dma_start3A_4, %dma_start3A_5] : memref<1000000x128xf32, #tpu.memory_space<hbm>> -> memref<1000000x128xf32, #tpu.memory_space<hbm>>
    tpu.enqueue_indirect_dma source(%dma_start3A_6 : memref<1000000x128xf32, #tpu.memory_space<hbm>>) target(%arg6 : memref<128x128xf32, #tpu.memory_space<vmem>>) offsets(%dma_start3A_3 : memref<128xi32, #tpu.memory_space<vmem>>) semaphore(%arg10 : memref<!tpu.dma_semaphore, #tpu.memory_space<semaphore_mem>>)
    %dma_start3A_7 = arith.constant 1 : i32
    %dma_start3A_8 = arith.constant 0 : i32
    %dma_start3A_9 = tpu.memref_slice %arg5[%dma_start3A_7, %dma_start3A_8] : memref<200x128xi32, #tpu.memory_space<vmem>> -> memref<1x128xi32, #tpu.memory_space<vmem>>
    %dma_start3A_10 = tpu.memref_squeeze %dma_start3A_9 : memref<1x128xi32, #tpu.memory_space<vmem>> -> memref<128xi32, #tpu.memory_space<vmem>>
    %dma_start3A_11 = arith.constant 0 : i32
    %dma_start3A_12 = arith.constant 0 : i32
    %dma_start3A_13 = tpu.memref_slice %arg3[%dma_start3A_11, %dma_start3A_12] : memref<1000000x128xf32, #tpu.memory_space<hbm>> -> memref<1000000x128xf32, #tpu.memory_space<hbm>>
    tpu.enqueue_indirect_dma source(%dma_start3A_13 : memref<1000000x128xf32, #tpu.memory_space<hbm>>) target(%arg7 : memref<128x128xf32, #tpu.memory_space<vmem>>) offsets(%dma_start3A_10 : memref<128xi32, #tpu.memory_space<vmem>>) semaphore(%arg11 : memref<!tpu.dma_semaphore, #tpu.memory_space<semaphore_mem>>)
    %dma_start3A_14 = arith.constant 2 : i32
    %dma_start3A_15 = arith.constant 0 : i32
    %dma_start3A_16 = tpu.memref_slice %arg5[%dma_start3A_14, %dma_start3A_15] : memref<200x128xi32, #tpu.memory_space<vmem>> -> memref<1x128xi32, #tpu.memory_space<vmem>>
    %dma_start3A_17 = tpu.memref_squeeze %dma_start3A_16 : memref<1x128xi32, #tpu.memory_space<vmem>> -> memref<128xi32, #tpu.memory_space<vmem>>
    %dma_start3A_18 = arith.constant 0 : i32
    %dma_start3A_19 = arith.constant 0 : i32
    %dma_start3A_20 = tpu.memref_slice %arg3[%dma_start3A_18, %dma_start3A_19] : memref<1000000x128xf32, #tpu.memory_space<hbm>> -> memref<1000000x128xf32, #tpu.memory_space<hbm>>
    tpu.enqueue_indirect_dma source(%dma_start3A_20 : memref<1000000x128xf32, #tpu.memory_space<hbm>>) target(%arg8 : memref<128x128xf32, #tpu.memory_space<vmem>>) offsets(%dma_start3A_17 : memref<128xi32, #tpu.memory_space<vmem>>) semaphore(%arg12 : memref<!tpu.dma_semaphore, #tpu.memory_space<semaphore_mem>>)
    %dma_start3A_21 = arith.constant 3 : i32
    %dma_start3A_22 = arith.constant 0 : i32
    %dma_start3A_23 = tpu.memref_slice %arg5[%dma_start3A_21, %dma_start3A_22] : memref<200x128xi32, #tpu.memory_space<vmem>> -> memref<1x128xi32, #tpu.memory_space<vmem>>
    %dma_start3A_24 = tpu.memref_squeeze %dma_start3A_23 : memref<1x128xi32, #tpu.memory_space<vmem>> -> memref<128xi32, #tpu.memory_space<vmem>>
    %dma_start3A_25 = arith.constant 0 : i32
    %dma_start3A_26 = arith.constant 0 : i32
    %dma_start3A_27 = tpu.memref_slice %arg3[%dma_start3A_25, %dma_start3A_26] : memref<1000000x128xf32, #tpu.memory_space<hbm>> -> memref<1000000x128xf32, #tpu.memory_space<hbm>>
    tpu.enqueue_indirect_dma source(%dma_start3A_27 : memref<1000000x128xf32, #tpu.memory_space<hbm>>) target(%arg9 : memref<128x128xf32, #tpu.memory_space<vmem>>) offsets(%dma_start3A_24 : memref<128xi32, #tpu.memory_space<vmem>>) semaphore(%arg13 : memref<!tpu.dma_semaphore, #tpu.memory_space<semaphore_mem>>)
    %scan3A = arith.constant 0 : i32
    %scan3A_28 = arith.constant 0 : i32
    %scan3A_29 = arith.constant 49 : i32
    %scan3A_30 = arith.addi %scan3A_28, %scan3A_29 : i32
    %scan3A_31 = arith.constant 1 : i32
    %scan3A_32 = scf.for %scan3A_133 = %scan3A_28 to %scan3A_30 step %scan3A_31 iter_args(%scan3A_134 = %scan3A) -> (i32)  : i32 {
      %mul3A_135 = arith.constant 4 : i32
      %mul3A_136 = arith.muli %scan3A_133, %mul3A_135 : i32
      %add3A_137 = arith.constant 0 : i32
      %add3A_138 = arith.addi %mul3A_136, %add3A_137 : i32
      %dma_wait3A_139 = arith.constant 0 : i32
      %dma_wait3A_140 = tpu.memref_slice %arg5[%add3A_138, %dma_wait3A_139] : memref<200x128xi32, #tpu.memory_space<vmem>> -> memref<1x128xi32, #tpu.memory_space<vmem>>
      %dma_wait3A_141 = tpu.memref_squeeze %dma_wait3A_140 : memref<1x128xi32, #tpu.memory_space<vmem>> -> memref<128xi32, #tpu.memory_space<vmem>>
      %dma_wait3A_142 = arith.constant 0 : i32
      %dma_wait3A_143 = arith.constant 0 : i32
      %dma_wait3A_144 = tpu.memref_slice %arg3[%dma_wait3A_142, %dma_wait3A_143] : memref<1000000x128xf32, #tpu.memory_space<hbm>> -> memref<1000000x128xf32, #tpu.memory_space<hbm>>
      tpu.wait_indirect_dma semaphore(%arg10 : memref<!tpu.dma_semaphore, #tpu.memory_space<semaphore_mem>>) src(%dma_wait3A_144 : memref<1000000x128xf32, #tpu.memory_space<hbm>>) dst(%arg6 : memref<128x128xf32, #tpu.memory_space<vmem>>)
      %add3A_145 = arith.constant 0 : i32
      %add3A_146 = arith.addi %mul3A_136, %add3A_145 : i32
      %dma_start3A_147 = arith.constant 0 : i32
      %dma_start3A_148 = arith.constant 0 : i32
      %dma_start3A_149 = tpu.memref_slice %arg4[%add3A, %add3A_146, %dma_start3A_147, %dma_start3A_148] : memref<32x200x128x128xf32, #tpu.memory_space<hbm>> -> memref<1x1x128x128xf32, #tpu.memory_space<hbm>>
      %dma_start3A_150 = tpu.memref_squeeze %dma_start3A_149 : memref<1x1x128x128xf32, #tpu.memory_space<hbm>> -> memref<128x128xf32, #tpu.memory_space<hbm>>
      %dma_start3A_151 = arith.constant 0 : i32
      %dma_start3A_152 = arith.constant 0 : i32
      %dma_start3A_153 = tpu.memref_slice %arg4[%add3A, %add3A_146, %dma_start3A_151, %dma_start3A_152] : memref<32x200x128x128xf32, #tpu.memory_space<hbm>> -> memref<1x1x128x128xf32, #tpu.memory_space<hbm>>
      %dma_start3A_154 = tpu.memref_squeeze %dma_start3A_153 : memref<1x1x128x128xf32, #tpu.memory_space<hbm>> -> memref<128x128xf32, #tpu.memory_space<hbm>>
      tpu.enqueue_dma source(%arg6 : memref<128x128xf32, #tpu.memory_space<vmem>>) target(%dma_start3A_154 : memref<128x128xf32, #tpu.memory_space<hbm>>) target_semaphore(%arg14 : memref<!tpu.dma_semaphore, #tpu.memory_space<semaphore_mem>>)
      %add3A_155 = arith.constant 1 : i32
      %add3A_156 = arith.addi %mul3A_136, %add3A_155 : i32
      %dma_wait3A_157 = arith.constant 0 : i32
      %dma_wait3A_158 = tpu.memref_slice %arg5[%add3A_156, %dma_wait3A_157] : memref<200x128xi32, #tpu.memory_space<vmem>> -> memref<1x128xi32, #tpu.memory_space<vmem>>
      %dma_wait3A_159 = tpu.memref_squeeze %dma_wait3A_158 : memref<1x128xi32, #tpu.memory_space<vmem>> -> memref<128xi32, #tpu.memory_space<vmem>>
      %dma_wait3A_160 = arith.constant 0 : i32
      %dma_wait3A_161 = arith.constant 0 : i32
      %dma_wait3A_162 = tpu.memref_slice %arg3[%dma_wait3A_160, %dma_wait3A_161] : memref<1000000x128xf32, #tpu.memory_space<hbm>> -> memref<1000000x128xf32, #tpu.memory_space<hbm>>
      tpu.wait_indirect_dma semaphore(%arg11 : memref<!tpu.dma_semaphore, #tpu.memory_space<semaphore_mem>>) src(%dma_wait3A_162 : memref<1000000x128xf32, #tpu.memory_space<hbm>>) dst(%arg7 : memref<128x128xf32, #tpu.memory_space<vmem>>)
      %add3A_163 = arith.constant 1 : i32
      %add3A_164 = arith.addi %mul3A_136, %add3A_163 : i32
      %dma_start3A_165 = arith.constant 0 : i32
      %dma_start3A_166 = arith.constant 0 : i32
      %dma_start3A_167 = tpu.memref_slice %arg4[%add3A, %add3A_164, %dma_start3A_165, %dma_start3A_166] : memref<32x200x128x128xf32, #tpu.memory_space<hbm>> -> memref<1x1x128x128xf32, #tpu.memory_space<hbm>>
      %dma_start3A_168 = tpu.memref_squeeze %dma_start3A_167 : memref<1x1x128x128xf32, #tpu.memory_space<hbm>> -> memref<128x128xf32, #tpu.memory_space<hbm>>
      %dma_start3A_169 = arith.constant 0 : i32
      %dma_start3A_170 = arith.constant 0 : i32
      %dma_start3A_171 = tpu.memref_slice %arg4[%add3A, %add3A_164, %dma_start3A_169, %dma_start3A_170] : memref<32x200x128x128xf32, #tpu.memory_space<hbm>> -> memref<1x1x128x128xf32, #tpu.memory_space<hbm>>
      %dma_start3A_172 = tpu.memref_squeeze %dma_start3A_171 : memref<1x1x128x128xf32, #tpu.memory_space<hbm>> -> memref<128x128xf32, #tpu.memory_space<hbm>>
      tpu.enqueue_dma source(%arg7 : memref<128x128xf32, #tpu.memory_space<vmem>>) target(%dma_start3A_172 : memref<128x128xf32, #tpu.memory_space<hbm>>) target_semaphore(%arg15 : memref<!tpu.dma_semaphore, #tpu.memory_space<semaphore_mem>>)
      %add3A_173 = arith.constant 2 : i32
      %add3A_174 = arith.addi %mul3A_136, %add3A_173 : i32
      %dma_wait3A_175 = arith.constant 0 : i32
      %dma_wait3A_176 = tpu.memref_slice %arg5[%add3A_174, %dma_wait3A_175] : memref<200x128xi32, #tpu.memory_space<vmem>> -> memref<1x128xi32, #tpu.memory_space<vmem>>
      %dma_wait3A_177 = tpu.memref_squeeze %dma_wait3A_176 : memref<1x128xi32, #tpu.memory_space<vmem>> -> memref<128xi32, #tpu.memory_space<vmem>>
      %dma_wait3A_178 = arith.constant 0 : i32
      %dma_wait3A_179 = arith.constant 0 : i32
      %dma_wait3A_180 = tpu.memref_slice %arg3[%dma_wait3A_178, %dma_wait3A_179] : memref<1000000x128xf32, #tpu.memory_space<hbm>> -> memref<1000000x128xf32, #tpu.memory_space<hbm>>
      tpu.wait_indirect_dma semaphore(%arg12 : memref<!tpu.dma_semaphore, #tpu.memory_space<semaphore_mem>>) src(%dma_wait3A_180 : memref<1000000x128xf32, #tpu.memory_space<hbm>>) dst(%arg8 : memref<128x128xf32, #tpu.memory_space<vmem>>)
      %add3A_181 = arith.constant 2 : i32
      %add3A_182 = arith.addi %mul3A_136, %add3A_181 : i32
      %dma_start3A_183 = arith.constant 0 : i32
      %dma_start3A_184 = arith.constant 0 : i32
      %dma_start3A_185 = tpu.memref_slice %arg4[%add3A, %add3A_182, %dma_start3A_183, %dma_start3A_184] : memref<32x200x128x128xf32, #tpu.memory_space<hbm>> -> memref<1x1x128x128xf32, #tpu.memory_space<hbm>>
      %dma_start3A_186 = tpu.memref_squeeze %dma_start3A_185 : memref<1x1x128x128xf32, #tpu.memory_space<hbm>> -> memref<128x128xf32, #tpu.memory_space<hbm>>
      %dma_start3A_187 = arith.constant 0 : i32
      %dma_start3A_188 = arith.constant 0 : i32
      %dma_start3A_189 = tpu.memref_slice %arg4[%add3A, %add3A_182, %dma_start3A_187, %dma_start3A_188] : memref<32x200x128x128xf32, #tpu.memory_space<hbm>> -> memref<1x1x128x128xf32, #tpu.memory_space<hbm>>
      %dma_start3A_190 = tpu.memref_squeeze %dma_start3A_189 : memref<1x1x128x128xf32, #tpu.memory_space<hbm>> -> memref<128x128xf32, #tpu.memory_space<hbm>>
      tpu.enqueue_dma source(%arg8 : memref<128x128xf32, #tpu.memory_space<vmem>>) target(%dma_start3A_190 : memref<128x128xf32, #tpu.memory_space<hbm>>) target_semaphore(%arg16 : memref<!tpu.dma_semaphore, #tpu.memory_space<semaphore_mem>>)
      %add3A_191 = arith.constant 3 : i32
      %add3A_192 = arith.addi %mul3A_136, %add3A_191 : i32
      %dma_wait3A_193 = arith.constant 0 : i32
      %dma_wait3A_194 = tpu.memref_slice %arg5[%add3A_192, %dma_wait3A_193] : memref<200x128xi32, #tpu.memory_space<vmem>> -> memref<1x128xi32, #tpu.memory_space<vmem>>
      %dma_wait3A_195 = tpu.memref_squeeze %dma_wait3A_194 : memref<1x128xi32, #tpu.memory_space<vmem>> -> memref<128xi32, #tpu.memory_space<vmem>>
      %dma_wait3A_196 = arith.constant 0 : i32
      %dma_wait3A_197 = arith.constant 0 : i32
      %dma_wait3A_198 = tpu.memref_slice %arg3[%dma_wait3A_196, %dma_wait3A_197] : memref<1000000x128xf32, #tpu.memory_space<hbm>> -> memref<1000000x128xf32, #tpu.memory_space<hbm>>
      tpu.wait_indirect_dma semaphore(%arg13 : memref<!tpu.dma_semaphore, #tpu.memory_space<semaphore_mem>>) src(%dma_wait3A_198 : memref<1000000x128xf32, #tpu.memory_space<hbm>>) dst(%arg9 : memref<128x128xf32, #tpu.memory_space<vmem>>)
      %add3A_199 = arith.constant 3 : i32
      %add3A_200 = arith.addi %mul3A_136, %add3A_199 : i32
      %dma_start3A_201 = arith.constant 0 : i32
      %dma_start3A_202 = arith.constant 0 : i32
      %dma_start3A_203 = tpu.memref_slice %arg4[%add3A, %add3A_200, %dma_start3A_201, %dma_start3A_202] : memref<32x200x128x128xf32, #tpu.memory_space<hbm>> -> memref<1x1x128x128xf32, #tpu.memory_space<hbm>>
      %dma_start3A_204 = tpu.memref_squeeze %dma_start3A_203 : memref<1x1x128x128xf32, #tpu.memory_space<hbm>> -> memref<128x128xf32, #tpu.memory_space<hbm>>
      %dma_start3A_205 = arith.constant 0 : i32
      %dma_start3A_206 = arith.constant 0 : i32
      %dma_start3A_207 = tpu.memref_slice %arg4[%add3A, %add3A_200, %dma_start3A_205, %dma_start3A_206] : memref<32x200x128x128xf32, #tpu.memory_space<hbm>> -> memref<1x1x128x128xf32, #tpu.memory_space<hbm>>
      %dma_start3A_208 = tpu.memref_squeeze %dma_start3A_207 : memref<1x1x128x128xf32, #tpu.memory_space<hbm>> -> memref<128x128xf32, #tpu.memory_space<hbm>>
      tpu.enqueue_dma source(%arg9 : memref<128x128xf32, #tpu.memory_space<vmem>>) target(%dma_start3A_208 : memref<128x128xf32, #tpu.memory_space<hbm>>) target_semaphore(%arg17 : memref<!tpu.dma_semaphore, #tpu.memory_space<semaphore_mem>>)
      %add3A_209 = arith.constant 0 : i32
      %add3A_210 = arith.addi %mul3A_136, %add3A_209 : i32
      %dma_wait3A_211 = arith.constant 0 : i32
      %dma_wait3A_212 = arith.constant 0 : i32
      %dma_wait3A_213 = tpu.memref_slice %arg4[%add3A, %add3A_210, %dma_wait3A_211, %dma_wait3A_212] : memref<32x200x128x128xf32, #tpu.memory_space<hbm>> -> memref<1x1x128x128xf32, #tpu.memory_space<hbm>>
      %dma_wait3A_214 = tpu.memref_squeeze %dma_wait3A_213 : memref<1x1x128x128xf32, #tpu.memory_space<hbm>> -> memref<128x128xf32, #tpu.memory_space<hbm>>
      %dma_wait3A_215 = arith.constant 0 : i32
      %dma_wait3A_216 = arith.constant 0 : i32
      %dma_wait3A_217 = tpu.memref_slice %arg4[%add3A, %add3A_210, %dma_wait3A_215, %dma_wait3A_216] : memref<32x200x128x128xf32, #tpu.memory_space<hbm>> -> memref<1x1x128x128xf32, #tpu.memory_space<hbm>>
      %dma_wait3A_218 = tpu.memref_squeeze %dma_wait3A_217 : memref<1x1x128x128xf32, #tpu.memory_space<hbm>> -> memref<128x128xf32, #tpu.memory_space<hbm>>
      tpu.wait_dma2 semaphore(%arg14 : memref<!tpu.dma_semaphore, #tpu.memory_space<semaphore_mem>>) src(%arg6 : memref<128x128xf32, #tpu.memory_space<vmem>>) dst(%dma_wait3A_218 : memref<128x128xf32, #tpu.memory_space<hbm>>)
      %add3A_219 = arith.constant 4 : i32
      %add3A_220 = arith.addi %mul3A_136, %add3A_219 : i32
      %add3A_221 = arith.constant 0 : i32
      %add3A_222 = arith.addi %add3A_220, %add3A_221 : i32
      %dma_start3A_223 = arith.constant 0 : i32
      %dma_start3A_224 = tpu.memref_slice %arg5[%add3A_222, %dma_start3A_223] : memref<200x128xi32, #tpu.memory_space<vmem>> -> memref<1x128xi32, #tpu.memory_space<vmem>>
      %dma_start3A_225 = tpu.memref_squeeze %dma_start3A_224 : memref<1x128xi32, #tpu.memory_space<vmem>> -> memref<128xi32, #tpu.memory_space<vmem>>
      %dma_start3A_226 = arith.constant 0 : i32
      %dma_start3A_227 = arith.constant 0 : i32
      %dma_start3A_228 = tpu.memref_slice %arg3[%dma_start3A_226, %dma_start3A_227] : memref<1000000x128xf32, #tpu.memory_space<hbm>> -> memref<1000000x128xf32, #tpu.memory_space<hbm>>
      tpu.enqueue_indirect_dma source(%dma_start3A_228 : memref<1000000x128xf32, #tpu.memory_space<hbm>>) target(%arg6 : memref<128x128xf32, #tpu.memory_space<vmem>>) offsets(%dma_start3A_225 : memref<128xi32, #tpu.memory_space<vmem>>) semaphore(%arg10 : memref<!tpu.dma_semaphore, #tpu.memory_space<semaphore_mem>>)
      %add3A_229 = arith.constant 1 : i32
      %add3A_230 = arith.addi %mul3A_136, %add3A_229 : i32
      %dma_wait3A_231 = arith.constant 0 : i32
      %dma_wait3A_232 = arith.constant 0 : i32
      %dma_wait3A_233 = tpu.memref_slice %arg4[%add3A, %add3A_230, %dma_wait3A_231, %dma_wait3A_232] : memref<32x200x128x128xf32, #tpu.memory_space<hbm>> -> memref<1x1x128x128xf32, #tpu.memory_space<hbm>>
      %dma_wait3A_234 = tpu.memref_squeeze %dma_wait3A_233 : memref<1x1x128x128xf32, #tpu.memory_space<hbm>> -> memref<128x128xf32, #tpu.memory_space<hbm>>
      %dma_wait3A_235 = arith.constant 0 : i32
      %dma_wait3A_236 = arith.constant 0 : i32
      %dma_wait3A_237 = tpu.memref_slice %arg4[%add3A, %add3A_230, %dma_wait3A_235, %dma_wait3A_236] : memref<32x200x128x128xf32, #tpu.memory_space<hbm>> -> memref<1x1x128x128xf32, #tpu.memory_space<hbm>>
      %dma_wait3A_238 = tpu.memref_squeeze %dma_wait3A_237 : memref<1x1x128x128xf32, #tpu.memory_space<hbm>> -> memref<128x128xf32, #tpu.memory_space<hbm>>
      tpu.wait_dma2 semaphore(%arg15 : memref<!tpu.dma_semaphore, #tpu.memory_space<semaphore_mem>>) src(%arg7 : memref<128x128xf32, #tpu.memory_space<vmem>>) dst(%dma_wait3A_238 : memref<128x128xf32, #tpu.memory_space<hbm>>)
      %add3A_239 = arith.constant 4 : i32
      %add3A_240 = arith.addi %mul3A_136, %add3A_239 : i32
      %add3A_241 = arith.constant 1 : i32
      %add3A_242 = arith.addi %add3A_240, %add3A_241 : i32
      %dma_start3A_243 = arith.constant 0 : i32
      %dma_start3A_244 = tpu.memref_slice %arg5[%add3A_242, %dma_start3A_243] : memref<200x128xi32, #tpu.memory_space<vmem>> -> memref<1x128xi32, #tpu.memory_space<vmem>>
      %dma_start3A_245 = tpu.memref_squeeze %dma_start3A_244 : memref<1x128xi32, #tpu.memory_space<vmem>> -> memref<128xi32, #tpu.memory_space<vmem>>
      %dma_start3A_246 = arith.constant 0 : i32
      %dma_start3A_247 = arith.constant 0 : i32
      %dma_start3A_248 = tpu.memref_slice %arg3[%dma_start3A_246, %dma_start3A_247] : memref<1000000x128xf32, #tpu.memory_space<hbm>> -> memref<1000000x128xf32, #tpu.memory_space<hbm>>
      tpu.enqueue_indirect_dma source(%dma_start3A_248 : memref<1000000x128xf32, #tpu.memory_space<hbm>>) target(%arg7 : memref<128x128xf32, #tpu.memory_space<vmem>>) offsets(%dma_start3A_245 : memref<128xi32, #tpu.memory_space<vmem>>) semaphore(%arg11 : memref<!tpu.dma_semaphore, #tpu.memory_space<semaphore_mem>>)
      %add3A_249 = arith.constant 2 : i32
      %add3A_250 = arith.addi %mul3A_136, %add3A_249 : i32
      %dma_wait3A_251 = arith.constant 0 : i32
      %dma_wait3A_252 = arith.constant 0 : i32
      %dma_wait3A_253 = tpu.memref_slice %arg4[%add3A, %add3A_250, %dma_wait3A_251, %dma_wait3A_252] : memref<32x200x128x128xf32, #tpu.memory_space<hbm>> -> memref<1x1x128x128xf32, #tpu.memory_space<hbm>>
      %dma_wait3A_254 = tpu.memref_squeeze %dma_wait3A_253 : memref<1x1x128x128xf32, #tpu.memory_space<hbm>> -> memref<128x128xf32, #tpu.memory_space<hbm>>
      %dma_wait3A_255 = arith.constant 0 : i32
      %dma_wait3A_256 = arith.constant 0 : i32
      %dma_wait3A_257 = tpu.memref_slice %arg4[%add3A, %add3A_250, %dma_wait3A_255, %dma_wait3A_256] : memref<32x200x128x128xf32, #tpu.memory_space<hbm>> -> memref<1x1x128x128xf32, #tpu.memory_space<hbm>>
      %dma_wait3A_258 = tpu.memref_squeeze %dma_wait3A_257 : memref<1x1x128x128xf32, #tpu.memory_space<hbm>> -> memref<128x128xf32, #tpu.memory_space<hbm>>
      tpu.wait_dma2 semaphore(%arg16 : memref<!tpu.dma_semaphore, #tpu.memory_space<semaphore_mem>>) src(%arg8 : memref<128x128xf32, #tpu.memory_space<vmem>>) dst(%dma_wait3A_258 : memref<128x128xf32, #tpu.memory_space<hbm>>)
      %add3A_259 = arith.constant 4 : i32
      %add3A_260 = arith.addi %mul3A_136, %add3A_259 : i32
      %add3A_261 = arith.constant 2 : i32
      %add3A_262 = arith.addi %add3A_260, %add3A_261 : i32
      %dma_start3A_263 = arith.constant 0 : i32
      %dma_start3A_264 = tpu.memref_slice %arg5[%add3A_262, %dma_start3A_263] : memref<200x128xi32, #tpu.memory_space<vmem>> -> memref<1x128xi32, #tpu.memory_space<vmem>>
      %dma_start3A_265 = tpu.memref_squeeze %dma_start3A_264 : memref<1x128xi32, #tpu.memory_space<vmem>> -> memref<128xi32, #tpu.memory_space<vmem>>
      %dma_start3A_266 = arith.constant 0 : i32
      %dma_start3A_267 = arith.constant 0 : i32
      %dma_start3A_268 = tpu.memref_slice %arg3[%dma_start3A_266, %dma_start3A_267] : memref<1000000x128xf32, #tpu.memory_space<hbm>> -> memref<1000000x128xf32, #tpu.memory_space<hbm>>
      tpu.enqueue_indirect_dma source(%dma_start3A_268 : memref<1000000x128xf32, #tpu.memory_space<hbm>>) target(%arg8 : memref<128x128xf32, #tpu.memory_space<vmem>>) offsets(%dma_start3A_265 : memref<128xi32, #tpu.memory_space<vmem>>) semaphore(%arg12 : memref<!tpu.dma_semaphore, #tpu.memory_space<semaphore_mem>>)
      %add3A_269 = arith.constant 3 : i32
      %add3A_270 = arith.addi %mul3A_136, %add3A_269 : i32
      %dma_wait3A_271 = arith.constant 0 : i32
      %dma_wait3A_272 = arith.constant 0 : i32
      %dma_wait3A_273 = tpu.memref_slice %arg4[%add3A, %add3A_270, %dma_wait3A_271, %dma_wait3A_272] : memref<32x200x128x128xf32, #tpu.memory_space<hbm>> -> memref<1x1x128x128xf32, #tpu.memory_space<hbm>>
      %dma_wait3A_274 = tpu.memref_squeeze %dma_wait3A_273 : memref<1x1x128x128xf32, #tpu.memory_space<hbm>> -> memref<128x128xf32, #tpu.memory_space<hbm>>
      %dma_wait3A_275 = arith.constant 0 : i32
      %dma_wait3A_276 = arith.constant 0 : i32
      %dma_wait3A_277 = tpu.memref_slice %arg4[%add3A, %add3A_270, %dma_wait3A_275, %dma_wait3A_276] : memref<32x200x128x128xf32, #tpu.memory_space<hbm>> -> memref<1x1x128x128xf32, #tpu.memory_space<hbm>>
      %dma_wait3A_278 = tpu.memref_squeeze %dma_wait3A_277 : memref<1x1x128x128xf32, #tpu.memory_space<hbm>> -> memref<128x128xf32, #tpu.memory_space<hbm>>
      tpu.wait_dma2 semaphore(%arg17 : memref<!tpu.dma_semaphore, #tpu.memory_space<semaphore_mem>>) src(%arg9 : memref<128x128xf32, #tpu.memory_space<vmem>>) dst(%dma_wait3A_278 : memref<128x128xf32, #tpu.memory_space<hbm>>)
      %add3A_279 = arith.constant 4 : i32
      %add3A_280 = arith.addi %mul3A_136, %add3A_279 : i32
      %add3A_281 = arith.constant 3 : i32
      %add3A_282 = arith.addi %add3A_280, %add3A_281 : i32
      %dma_start3A_283 = arith.constant 0 : i32
      %dma_start3A_284 = tpu.memref_slice %arg5[%add3A_282, %dma_start3A_283] : memref<200x128xi32, #tpu.memory_space<vmem>> -> memref<1x128xi32, #tpu.memory_space<vmem>>
      %dma_start3A_285 = tpu.memref_squeeze %dma_start3A_284 : memref<1x128xi32, #tpu.memory_space<vmem>> -> memref<128xi32, #tpu.memory_space<vmem>>
      %dma_start3A_286 = arith.constant 0 : i32
      %dma_start3A_287 = arith.constant 0 : i32
      %dma_start3A_288 = tpu.memref_slice %arg3[%dma_start3A_286, %dma_start3A_287] : memref<1000000x128xf32, #tpu.memory_space<hbm>> -> memref<1000000x128xf32, #tpu.memory_space<hbm>>
      tpu.enqueue_indirect_dma source(%dma_start3A_288 : memref<1000000x128xf32, #tpu.memory_space<hbm>>) target(%arg9 : memref<128x128xf32, #tpu.memory_space<vmem>>) offsets(%dma_start3A_285 : memref<128xi32, #tpu.memory_space<vmem>>) semaphore(%arg13 : memref<!tpu.dma_semaphore, #tpu.memory_space<semaphore_mem>>)
      %scan3A_289 = arith.constant 0 : i32
      scf.yield %scan3A_289 : i32
    }
    %scan3A_33 = arith.constant 49 : i32
    %dma_wait3A = arith.constant 196 : i32
    %dma_wait3A_34 = arith.constant 0 : i32
    %dma_wait3A_35 = tpu.memref_slice %arg5[%dma_wait3A, %dma_wait3A_34] : memref<200x128xi32, #tpu.memory_space<vmem>> -> memref<1x128xi32, #tpu.memory_space<vmem>>
    %dma_wait3A_36 = tpu.memref_squeeze %dma_wait3A_35 : memref<1x128xi32, #tpu.memory_space<vmem>> -> memref<128xi32, #tpu.memory_space<vmem>>
    %dma_wait3A_37 = arith.constant 0 : i32
    %dma_wait3A_38 = arith.constant 0 : i32
    %dma_wait3A_39 = tpu.memref_slice %arg3[%dma_wait3A_37, %dma_wait3A_38] : memref<1000000x128xf32, #tpu.memory_space<hbm>> -> memref<1000000x128xf32, #tpu.memory_space<hbm>>
    tpu.wait_indirect_dma semaphore(%arg10 : memref<!tpu.dma_semaphore, #tpu.memory_space<semaphore_mem>>) src(%dma_wait3A_39 : memref<1000000x128xf32, #tpu.memory_space<hbm>>) dst(%arg6 : memref<128x128xf32, #tpu.memory_space<vmem>>)
    %dma_start3A_40 = arith.constant 196 : i32
    %dma_start3A_41 = arith.constant 0 : i32
    %dma_start3A_42 = arith.constant 0 : i32
    %dma_start3A_43 = tpu.memref_slice %arg4[%add3A, %dma_start3A_40, %dma_start3A_41, %dma_start3A_42] : memref<32x200x128x128xf32, #tpu.memory_space<hbm>> -> memref<1x1x128x128xf32, #tpu.memory_space<hbm>>
    %dma_start3A_44 = tpu.memref_squeeze %dma_start3A_43 : memref<1x1x128x128xf32, #tpu.memory_space<hbm>> -> memref<128x128xf32, #tpu.memory_space<hbm>>
    %dma_start3A_45 = arith.constant 0 : i32
    %dma_start3A_46 = arith.constant 0 : i32
    %dma_start3A_47 = tpu.memref_slice %arg4[%add3A, %dma_start3A_40, %dma_start3A_45, %dma_start3A_46] : memref<32x200x128x128xf32, #tpu.memory_space<hbm>> -> memref<1x1x128x128xf32, #tpu.memory_space<hbm>>
    %dma_start3A_48 = tpu.memref_squeeze %dma_start3A_47 : memref<1x1x128x128xf32, #tpu.memory_space<hbm>> -> memref<128x128xf32, #tpu.memory_space<hbm>>
    tpu.enqueue_dma source(%arg6 : memref<128x128xf32, #tpu.memory_space<vmem>>) target(%dma_start3A_48 : memref<128x128xf32, #tpu.memory_space<hbm>>) target_semaphore(%arg14 : memref<!tpu.dma_semaphore, #tpu.memory_space<semaphore_mem>>)
    %dma_wait3A_49 = arith.constant 197 : i32
    %dma_wait3A_50 = arith.constant 0 : i32
    %dma_wait3A_51 = tpu.memref_slice %arg5[%dma_wait3A_49, %dma_wait3A_50] : memref<200x128xi32, #tpu.memory_space<vmem>> -> memref<1x128xi32, #tpu.memory_space<vmem>>
    %dma_wait3A_52 = tpu.memref_squeeze %dma_wait3A_51 : memref<1x128xi32, #tpu.memory_space<vmem>> -> memref<128xi32, #tpu.memory_space<vmem>>
    %dma_wait3A_53 = arith.constant 0 : i32
    %dma_wait3A_54 = arith.constant 0 : i32
    %dma_wait3A_55 = tpu.memref_slice %arg3[%dma_wait3A_53, %dma_wait3A_54] : memref<1000000x128xf32, #tpu.memory_space<hbm>> -> memref<1000000x128xf32, #tpu.memory_space<hbm>>
    tpu.wait_indirect_dma semaphore(%arg11 : memref<!tpu.dma_semaphore, #tpu.memory_space<semaphore_mem>>) src(%dma_wait3A_55 : memref<1000000x128xf32, #tpu.memory_space<hbm>>) dst(%arg7 : memref<128x128xf32, #tpu.memory_space<vmem>>)
    %dma_start3A_56 = arith.constant 197 : i32
    %dma_start3A_57 = arith.constant 0 : i32
    %dma_start3A_58 = arith.constant 0 : i32
    %dma_start3A_59 = tpu.memref_slice %arg4[%add3A, %dma_start3A_56, %dma_start3A_57, %dma_start3A_58] : memref<32x200x128x128xf32, #tpu.memory_space<hbm>> -> memref<1x1x128x128xf32, #tpu.memory_space<hbm>>
    %dma_start3A_60 = tpu.memref_squeeze %dma_start3A_59 : memref<1x1x128x128xf32, #tpu.memory_space<hbm>> -> memref<128x128xf32, #tpu.memory_space<hbm>>
    %dma_start3A_61 = arith.constant 0 : i32
    %dma_start3A_62 = arith.constant 0 : i32
    %dma_start3A_63 = tpu.memref_slice %arg4[%add3A, %dma_start3A_56, %dma_start3A_61, %dma_start3A_62] : memref<32x200x128x128xf32, #tpu.memory_space<hbm>> -> memref<1x1x128x128xf32, #tpu.memory_space<hbm>>
    %dma_start3A_64 = tpu.memref_squeeze %dma_start3A_63 : memref<1x1x128x128xf32, #tpu.memory_space<hbm>> -> memref<128x128xf32, #tpu.memory_space<hbm>>
    tpu.enqueue_dma source(%arg7 : memref<128x128xf32, #tpu.memory_space<vmem>>) target(%dma_start3A_64 : memref<128x128xf32, #tpu.memory_space<hbm>>) target_semaphore(%arg15 : memref<!tpu.dma_semaphore, #tpu.memory_space<semaphore_mem>>)
    %dma_wait3A_65 = arith.constant 198 : i32
    %dma_wait3A_66 = arith.constant 0 : i32
    %dma_wait3A_67 = tpu.memref_slice %arg5[%dma_wait3A_65, %dma_wait3A_66] : memref<200x128xi32, #tpu.memory_space<vmem>> -> memref<1x128xi32, #tpu.memory_space<vmem>>
    %dma_wait3A_68 = tpu.memref_squeeze %dma_wait3A_67 : memref<1x128xi32, #tpu.memory_space<vmem>> -> memref<128xi32, #tpu.memory_space<vmem>>
    %dma_wait3A_69 = arith.constant 0 : i32
    %dma_wait3A_70 = arith.constant 0 : i32
    %dma_wait3A_71 = tpu.memref_slice %arg3[%dma_wait3A_69, %dma_wait3A_70] : memref<1000000x128xf32, #tpu.memory_space<hbm>> -> memref<1000000x128xf32, #tpu.memory_space<hbm>>
    tpu.wait_indirect_dma semaphore(%arg12 : memref<!tpu.dma_semaphore, #tpu.memory_space<semaphore_mem>>) src(%dma_wait3A_71 : memref<1000000x128xf32, #tpu.memory_space<hbm>>) dst(%arg8 : memref<128x128xf32, #tpu.memory_space<vmem>>)
    %dma_start3A_72 = arith.constant 198 : i32
    %dma_start3A_73 = arith.constant 0 : i32
    %dma_start3A_74 = arith.constant 0 : i32
    %dma_start3A_75 = tpu.memref_slice %arg4[%add3A, %dma_start3A_72, %dma_start3A_73, %dma_start3A_74] : memref<32x200x128x128xf32, #tpu.memory_space<hbm>> -> memref<1x1x128x128xf32, #tpu.memory_space<hbm>>
    %dma_start3A_76 = tpu.memref_squeeze %dma_start3A_75 : memref<1x1x128x128xf32, #tpu.memory_space<hbm>> -> memref<128x128xf32, #tpu.memory_space<hbm>>
    %dma_start3A_77 = arith.constant 0 : i32
    %dma_start3A_78 = arith.constant 0 : i32
    %dma_start3A_79 = tpu.memref_slice %arg4[%add3A, %dma_start3A_72, %dma_start3A_77, %dma_start3A_78] : memref<32x200x128x128xf32, #tpu.memory_space<hbm>> -> memref<1x1x128x128xf32, #tpu.memory_space<hbm>>
    %dma_start3A_80 = tpu.memref_squeeze %dma_start3A_79 : memref<1x1x128x128xf32, #tpu.memory_space<hbm>> -> memref<128x128xf32, #tpu.memory_space<hbm>>
    tpu.enqueue_dma source(%arg8 : memref<128x128xf32, #tpu.memory_space<vmem>>) target(%dma_start3A_80 : memref<128x128xf32, #tpu.memory_space<hbm>>) target_semaphore(%arg16 : memref<!tpu.dma_semaphore, #tpu.memory_space<semaphore_mem>>)
    %dma_wait3A_81 = arith.constant 199 : i32
    %dma_wait3A_82 = arith.constant 0 : i32
    %dma_wait3A_83 = tpu.memref_slice %arg5[%dma_wait3A_81, %dma_wait3A_82] : memref<200x128xi32, #tpu.memory_space<vmem>> -> memref<1x128xi32, #tpu.memory_space<vmem>>
    %dma_wait3A_84 = tpu.memref_squeeze %dma_wait3A_83 : memref<1x128xi32, #tpu.memory_space<vmem>> -> memref<128xi32, #tpu.memory_space<vmem>>
    %dma_wait3A_85 = arith.constant 0 : i32
    %dma_wait3A_86 = arith.constant 0 : i32
    %dma_wait3A_87 = tpu.memref_slice %arg3[%dma_wait3A_85, %dma_wait3A_86] : memref<1000000x128xf32, #tpu.memory_space<hbm>> -> memref<1000000x128xf32, #tpu.memory_space<hbm>>
    tpu.wait_indirect_dma semaphore(%arg13 : memref<!tpu.dma_semaphore, #tpu.memory_space<semaphore_mem>>) src(%dma_wait3A_87 : memref<1000000x128xf32, #tpu.memory_space<hbm>>) dst(%arg9 : memref<128x128xf32, #tpu.memory_space<vmem>>)
    %dma_start3A_88 = arith.constant 199 : i32
    %dma_start3A_89 = arith.constant 0 : i32
    %dma_start3A_90 = arith.constant 0 : i32
    %dma_start3A_91 = tpu.memref_slice %arg4[%add3A, %dma_start3A_88, %dma_start3A_89, %dma_start3A_90] : memref<32x200x128x128xf32, #tpu.memory_space<hbm>> -> memref<1x1x128x128xf32, #tpu.memory_space<hbm>>
    %dma_start3A_92 = tpu.memref_squeeze %dma_start3A_91 : memref<1x1x128x128xf32, #tpu.memory_space<hbm>> -> memref<128x128xf32, #tpu.memory_space<hbm>>
    %dma_start3A_93 = arith.constant 0 : i32
    %dma_start3A_94 = arith.constant 0 : i32
    %dma_start3A_95 = tpu.memref_slice %arg4[%add3A, %dma_start3A_88, %dma_start3A_93, %dma_start3A_94] : memref<32x200x128x128xf32, #tpu.memory_space<hbm>> -> memref<1x1x128x128xf32, #tpu.memory_space<hbm>>
    %dma_start3A_96 = tpu.memref_squeeze %dma_start3A_95 : memref<1x1x128x128xf32, #tpu.memory_space<hbm>> -> memref<128x128xf32, #tpu.memory_space<hbm>>
    tpu.enqueue_dma source(%arg9 : memref<128x128xf32, #tpu.memory_space<vmem>>) target(%dma_start3A_96 : memref<128x128xf32, #tpu.memory_space<hbm>>) target_semaphore(%arg17 : memref<!tpu.dma_semaphore, #tpu.memory_space<semaphore_mem>>)
    %dma_wait3A_97 = arith.constant 196 : i32
    %dma_wait3A_98 = arith.constant 0 : i32
    %dma_wait3A_99 = arith.constant 0 : i32
    %dma_wait3A_100 = tpu.memref_slice %arg4[%add3A, %dma_wait3A_97, %dma_wait3A_98, %dma_wait3A_99] : memref<32x200x128x128xf32, #tpu.memory_space<hbm>> -> memref<1x1x128x128xf32, #tpu.memory_space<hbm>>
    %dma_wait3A_101 = tpu.memref_squeeze %dma_wait3A_100 : memref<1x1x128x128xf32, #tpu.memory_space<hbm>> -> memref<128x128xf32, #tpu.memory_space<hbm>>
    %dma_wait3A_102 = arith.constant 0 : i32
    %dma_wait3A_103 = arith.constant 0 : i32
    %dma_wait3A_104 = tpu.memref_slice %arg4[%add3A, %dma_wait3A_97, %dma_wait3A_102, %dma_wait3A_103] : memref<32x200x128x128xf32, #tpu.memory_space<hbm>> -> memref<1x1x128x128xf32, #tpu.memory_space<hbm>>
    %dma_wait3A_105 = tpu.memref_squeeze %dma_wait3A_104 : memref<1x1x128x128xf32, #tpu.memory_space<hbm>> -> memref<128x128xf32, #tpu.memory_space<hbm>>
    tpu.wait_dma2 semaphore(%arg14 : memref<!tpu.dma_semaphore, #tpu.memory_space<semaphore_mem>>) src(%arg6 : memref<128x128xf32, #tpu.memory_space<vmem>>) dst(%dma_wait3A_105 : memref<128x128xf32, #tpu.memory_space<hbm>>)
    %dma_wait3A_106 = arith.constant 197 : i32
    %dma_wait3A_107 = arith.constant 0 : i32
    %dma_wait3A_108 = arith.constant 0 : i32
    %dma_wait3A_109 = tpu.memref_slice %arg4[%add3A, %dma_wait3A_106, %dma_wait3A_107, %dma_wait3A_108] : memref<32x200x128x128xf32, #tpu.memory_space<hbm>> -> memref<1x1x128x128xf32, #tpu.memory_space<hbm>>
    %dma_wait3A_110 = tpu.memref_squeeze %dma_wait3A_109 : memref<1x1x128x128xf32, #tpu.memory_space<hbm>> -> memref<128x128xf32, #tpu.memory_space<hbm>>
    %dma_wait3A_111 = arith.constant 0 : i32
    %dma_wait3A_112 = arith.constant 0 : i32
    %dma_wait3A_113 = tpu.memref_slice %arg4[%add3A, %dma_wait3A_106, %dma_wait3A_111, %dma_wait3A_112] : memref<32x200x128x128xf32, #tpu.memory_space<hbm>> -> memref<1x1x128x128xf32, #tpu.memory_space<hbm>>
    %dma_wait3A_114 = tpu.memref_squeeze %dma_wait3A_113 : memref<1x1x128x128xf32, #tpu.memory_space<hbm>> -> memref<128x128xf32, #tpu.memory_space<hbm>>
    tpu.wait_dma2 semaphore(%arg15 : memref<!tpu.dma_semaphore, #tpu.memory_space<semaphore_mem>>) src(%arg7 : memref<128x128xf32, #tpu.memory_space<vmem>>) dst(%dma_wait3A_114 : memref<128x128xf32, #tpu.memory_space<hbm>>)
    %dma_wait3A_115 = arith.constant 198 : i32
    %dma_wait3A_116 = arith.constant 0 : i32
    %dma_wait3A_117 = arith.constant 0 : i32
    %dma_wait3A_118 = tpu.memref_slice %arg4[%add3A, %dma_wait3A_115, %dma_wait3A_116, %dma_wait3A_117] : memref<32x200x128x128xf32, #tpu.memory_space<hbm>> -> memref<1x1x128x128xf32, #tpu.memory_space<hbm>>
    %dma_wait3A_119 = tpu.memref_squeeze %dma_wait3A_118 : memref<1x1x128x128xf32, #tpu.memory_space<hbm>> -> memref<128x128xf32, #tpu.memory_space<hbm>>
    %dma_wait3A_120 = arith.constant 0 : i32
    %dma_wait3A_121 = arith.constant 0 : i32
    %dma_wait3A_122 = tpu.memref_slice %arg4[%add3A, %dma_wait3A_115, %dma_wait3A_120, %dma_wait3A_121] : memref<32x200x128x128xf32, #tpu.memory_space<hbm>> -> memref<1x1x128x128xf32, #tpu.memory_space<hbm>>
    %dma_wait3A_123 = tpu.memref_squeeze %dma_wait3A_122 : memref<1x1x128x128xf32, #tpu.memory_space<hbm>> -> memref<128x128xf32, #tpu.memory_space<hbm>>
    tpu.wait_dma2 semaphore(%arg16 : memref<!tpu.dma_semaphore, #tpu.memory_space<semaphore_mem>>) src(%arg8 : memref<128x128xf32, #tpu.memory_space<vmem>>) dst(%dma_wait3A_123 : memref<128x128xf32, #tpu.memory_space<hbm>>)
    %dma_wait3A_124 = arith.constant 199 : i32
    %dma_wait3A_125 = arith.constant 0 : i32
    %dma_wait3A_126 = arith.constant 0 : i32
    %dma_wait3A_127 = tpu.memref_slice %arg4[%add3A, %dma_wait3A_124, %dma_wait3A_125, %dma_wait3A_126] : memref<32x200x128x128xf32, #tpu.memory_space<hbm>> -> memref<1x1x128x128xf32, #tpu.memory_space<hbm>>
    %dma_wait3A_128 = tpu.memref_squeeze %dma_wait3A_127 : memref<1x1x128x128xf32, #tpu.memory_space<hbm>> -> memref<128x128xf32, #tpu.memory_space<hbm>>
    %dma_wait3A_129 = arith.constant 0 : i32
    %dma_wait3A_130 = arith.constant 0 : i32
    %dma_wait3A_131 = tpu.memref_slice %arg4[%add3A, %dma_wait3A_124, %dma_wait3A_129, %dma_wait3A_130] : memref<32x200x128x128xf32, #tpu.memory_space<hbm>> -> memref<1x1x128x128xf32, #tpu.memory_space<hbm>>
    %dma_wait3A_132 = tpu.memref_squeeze %dma_wait3A_131 : memref<1x1x128x128xf32, #tpu.memory_space<hbm>> -> memref<128x128xf32, #tpu.memory_space<hbm>>
    tpu.wait_dma2 semaphore(%arg17 : memref<!tpu.dma_semaphore, #tpu.memory_space<semaphore_mem>>) src(%arg9 : memref<128x128xf32, #tpu.memory_space<vmem>>) dst(%dma_wait3A_132 : memref<128x128xf32, #tpu.memory_space<hbm>>)
    return
  }
}

module attributes {stable_mosaic.version = 14 : i64} {
  func.func @_finish_body(%arg0: i32, %arg1: memref<16384x128xf32, #tpu.memory_space<vmem>>, %arg2: memref<4x64x4096xf32, #tpu.memory_space<vmem>>) attributes {dimension_semantics = [#tpu.dimension_semantics<arbitrary>], iteration_bounds = array<i64: 50>, scalar_prefetch = 0 : i64, scratch_operands = 0 : i64, tpu.core_type = #tpu.core_type<tc>, window_params = [{transform_indices = @transform_0, window_bounds = array<i64: 16384, 128>}, {transform_indices = @transform_1, window_bounds = array<i64: 4, 64, 4096>}]} {
    %get3A = arith.constant 0 : index
    %get3A_0 = arith.constant 0 : index
    %get3A_1 = vector.load %arg1[%get3A, %get3A_0] : memref<16384x128xf32, #tpu.memory_space<vmem>>, vector<4096x64xf32>
    %transpose3A = tpu.transpose %get3A_1, [1, 0] : vector<4096x64xf32> -> vector<64x4096xf32>
    %mul3A = arith.constant 8.000000e+00 : f32
    %mul3A_2 = vector.broadcast %mul3A : f32 to vector<64x4096xf32>
    %mul3A_3 = arith.mulf %transpose3A, %mul3A_2 : vector<64x4096xf32>
    %swap3A = arith.constant 0 : index
    %swap3A_4 = arith.constant 0 : index
    %swap3A_5 = arith.constant 0 : index
    %swap3A_6 = vector.load %arg2[%swap3A, %swap3A_4, %swap3A_5] : memref<4x64x4096xf32, #tpu.memory_space<vmem>>, vector<1x64x4096xf32>
    %swap3A_7 = vector.shape_cast %swap3A_6 : vector<1x64x4096xf32> to vector<64x4096xf32>
    %swap3A_8 = vector.shape_cast %mul3A_3 : vector<64x4096xf32> to vector<1x64x4096xf32>
    tpu.vector_store %arg2[%swap3A, %swap3A_4, %swap3A_5], %swap3A_8 {strides = array<i32>} : memref<4x64x4096xf32, #tpu.memory_space<vmem>>, vector<1x64x4096xf32>,
    %get3A_9 = arith.constant 4096 : index
    %get3A_10 = arith.constant 0 : index
    %get3A_11 = vector.load %arg1[%get3A_9, %get3A_10] : memref<16384x128xf32, #tpu.memory_space<vmem>>, vector<4096x64xf32>
    %transpose3A_12 = tpu.transpose %get3A_11, [1, 0] : vector<4096x64xf32> -> vector<64x4096xf32>
    %mul3A_13 = arith.constant 8.000000e+00 : f32
    %mul3A_14 = vector.broadcast %mul3A_13 : f32 to vector<64x4096xf32>
    %mul3A_15 = arith.mulf %transpose3A_12, %mul3A_14 : vector<64x4096xf32>
    %swap3A_16 = arith.constant 1 : index
    %swap3A_17 = arith.constant 0 : index
    %swap3A_18 = arith.constant 0 : index
    %swap3A_19 = vector.load %arg2[%swap3A_16, %swap3A_17, %swap3A_18] : memref<4x64x4096xf32, #tpu.memory_space<vmem>>, vector<1x64x4096xf32>
    %swap3A_20 = vector.shape_cast %swap3A_19 : vector<1x64x4096xf32> to vector<64x4096xf32>
    %swap3A_21 = vector.shape_cast %mul3A_15 : vector<64x4096xf32> to vector<1x64x4096xf32>
    tpu.vector_store %arg2[%swap3A_16, %swap3A_17, %swap3A_18], %swap3A_21 {strides = array<i32>} : memref<4x64x4096xf32, #tpu.memory_space<vmem>>, vector<1x64x4096xf32>,
    %get3A_22 = arith.constant 8192 : index
    %get3A_23 = arith.constant 0 : index
    %get3A_24 = vector.load %arg1[%get3A_22, %get3A_23] : memref<16384x128xf32, #tpu.memory_space<vmem>>, vector<4096x64xf32>
    %transpose3A_25 = tpu.transpose %get3A_24, [1, 0] : vector<4096x64xf32> -> vector<64x4096xf32>
    %mul3A_26 = arith.constant 8.000000e+00 : f32
    %mul3A_27 = vector.broadcast %mul3A_26 : f32 to vector<64x4096xf32>
    %mul3A_28 = arith.mulf %transpose3A_25, %mul3A_27 : vector<64x4096xf32>
    %swap3A_29 = arith.constant 2 : index
    %swap3A_30 = arith.constant 0 : index
    %swap3A_31 = arith.constant 0 : index
    %swap3A_32 = vector.load %arg2[%swap3A_29, %swap3A_30, %swap3A_31] : memref<4x64x4096xf32, #tpu.memory_space<vmem>>, vector<1x64x4096xf32>
    %swap3A_33 = vector.shape_cast %swap3A_32 : vector<1x64x4096xf32> to vector<64x4096xf32>
    %swap3A_34 = vector.shape_cast %mul3A_28 : vector<64x4096xf32> to vector<1x64x4096xf32>
    tpu.vector_store %arg2[%swap3A_29, %swap3A_30, %swap3A_31], %swap3A_34 {strides = array<i32>} : memref<4x64x4096xf32, #tpu.memory_space<vmem>>, vector<1x64x4096xf32>,
    %get3A_35 = arith.constant 12288 : index
    %get3A_36 = arith.constant 0 : index
    %get3A_37 = vector.load %arg1[%get3A_35, %get3A_36] : memref<16384x128xf32, #tpu.memory_space<vmem>>, vector<4096x64xf32>
    %transpose3A_38 = tpu.transpose %get3A_37, [1, 0] : vector<4096x64xf32> -> vector<64x4096xf32>
    %mul3A_39 = arith.constant 8.000000e+00 : f32
    %mul3A_40 = vector.broadcast %mul3A_39 : f32 to vector<64x4096xf32>
    %mul3A_41 = arith.mulf %transpose3A_38, %mul3A_40 : vector<64x4096xf32>
    %swap3A_42 = arith.constant 3 : index
    %swap3A_43 = arith.constant 0 : index
    %swap3A_44 = arith.constant 0 : index
    %swap3A_45 = vector.load %arg2[%swap3A_42, %swap3A_43, %swap3A_44] : memref<4x64x4096xf32, #tpu.memory_space<vmem>>, vector<1x64x4096xf32>
    %swap3A_46 = vector.shape_cast %swap3A_45 : vector<1x64x4096xf32> to vector<64x4096xf32>
    %swap3A_47 = vector.shape_cast %mul3A_41 : vector<64x4096xf32> to vector<1x64x4096xf32>
    tpu.vector_store %arg2[%swap3A_42, %swap3A_43, %swap3A_44], %swap3A_47 {strides = array<i32>} : memref<4x64x4096xf32, #tpu.memory_space<vmem>>, vector<1x64x4096xf32>,
    return
  }
  func.func @transform_0(%arg0: i32) -> (i32, i32) {
    %c0_i32 = arith.constant 0 : i32
    %c0_i32_0 = arith.constant 0 : i32
    return %arg0, %c0_i32 : i32, i32
  }
  func.func @transform_1(%arg0: i32) -> (i32, i32, i32) {
    %c0_i32 = arith.constant 0 : i32
    %c0_i32_0 = arith.constant 0 : i32
    %c0_i32_1 = arith.constant 0 : i32
    return %arg0, %c0_i32, %c0_i32_0 : i32, i32, i32
  }
}

</mosaic_0001>

<sc_bundles>
// kernel: kernel.4.cloned.1.call-start
scs
__scs_entry_jumppad:
0x0: {  	(pc) =	sbr.rel $0x88, $3  }
0x1: {  	(tag) =	ssettag $0x0;
	lr =	simm.s32 $0x1  }
0x2: {  	[smem:$0x3F9F] =	sst lr;
	_ =	strace $0xD0000000  }
0x3: {  	_ = 	snop  }
0x4: {  	_ = 	snop  }
0x5: {  	_ = 	snop  }
0x6: {  	_ = 	snop  }
0x7: {  	_ = 	snop  }
__scs_overlays_trampoline_lowered:
0x8: {  	[smem:$0x3FAE] =	sst s0  }
0x9: {  	[smem:$0x3FAF] =	sst s1  }
0xa: {  	[smem:$0x3FB0] =	sst s2  }
0xb: {  	[smem:$0x3FB1] =	sst s3  }
0xc: {  	[smem:$0x3FB2] =	sst s4  }
0xd: {  	[smem:$0x3FB3] =	sst s5  }
0xe: {  	[smem:$0x3FB4] =	sst s6  }
0xf: {  	[smem:$0x3FB5] =	sst s7  }
0x10: {  	[smem:$0x3FB6] =	sst s8  }
0x11: {  	[smem:$0x3FB7] =	sst s9;
	s0 =	simm.s32 @!p0 $0x0  }
0x12: {  	s1 =	sld [smem:$0x3F9D];
	s0 =	simm.s32 @p0 $0x1  }
0x13: {  	[smem:$0x3FB8] =	sst s0;
	s0 =	simm.s32 @!p1 $0x0  }
0x14: {  	s2 =	sld [smem:$0x3F9C];
	s0 =	simm.s32 @p1 $0x1  }
0x15: {  	[smem:$0x3FB9] =	sst s0;
	s0 =	simm.s32 @!p2 $0x0  }
0x16: {  	s3 =	sld [smem:$0x3FDB];
	s0 =	simm.s32 @p2 $0x1  }
0x17: {  	s4 =	simm.s32 $0x1BF5;
	[smem:$0x3FBB] =	sst s0  }
0x18: {  	s0 =	sld [smem:$0x3F9E];
	_ =	swait.ge [sflag:s4], $0x0  }
0x19: {  	s7 =	sld [smem:$0x3F9F]  }
0x1a: {  	s8 =	sadd.s32 $0xFFFFE003, lr  }
0x1b: {  	s9 =	sadd.s32 $0xFFFFFEF7, lr;
	s5 =	simm.s32 $0xFFFFFFFF;
	p2 =	slt.u32 s8, $0xFFFFF086  }
0x1c: {  	p1 =	slt.u32 s9, $0xF7A;
	s5 =	simm.s32 @!p2 $0x0  }
0x1d: {  	s5 =	simm.s32 @p1 $0x1;
	p0 =	seq.s32 s7, s2  }
0x1e: {  	s7 =	smul.u32 @!p0 $0xF7A, s2;
	p2 =	seq.s32 @!p0 s5, $0x0  }
0x1f: {  	s9 =	smul.u32 $0xF7A, s1;
	s8 =	simm.s32 @!p0 $0x1BF5;
	p2 =	por !p2, p0  }
0x20: {  	[sflag:s8] =	ssyncset.s32 @!p0 $0xFFFFF086;
	s6 =	sadd.s32 @!p0 s3, s7;
	s7 =	simm.s32 @!p0 $0x108  }
0x21: {  	s3 =	sadd.s32 s3, s9;
	s6 =	sadd.s32 @!p0 $0x88, s6;
	s7 =	simm.s32 @p2 $0x1082  }
0x22: {  	[simem:s7], [sflag:s8] =	dma.local @!p0 [hbm:s6], $0xF7A  }
0x23: {  	s9 =	sor.u32 $0xD0000000, s2;
	s6 =	simm.s32 $0x108;
	_ =	swait.ge @!p0 [sflag:s8], $0x0  }
0x24: {  	s3 =	sadd.s32 $0x88, s3;
	s6 =	simm.s32 @!p1 $0x1082;
	[sflag:s4] =	ssyncset.s32 $0xFFFFF086  }
0x25: {  	[simem:s6], [sflag:s4] =	dma.local [hbm:s3], $0xF7A  }
0x26: {  	[smem:$0x3F9F] =	sst s1;
	(tag) =	ssettag s2;
	_ =	strace s9  }
0x27: {  	s1 =	sld [smem:$0x3FAF]  }
0x28: {  	s2 =	sld [smem:$0x3FB0]  }
0x29: {  	s4 =	sld [smem:$0x3FB2]  }
0x2a: {  	p0 =	seq.s32 s5, $0x0;
	s5 =	sld [smem:$0x3FB3]  }
0x2b: {  	s6 =	sld [smem:$0x3FB4]  }
0x2c: {  	s7 =	sld [smem:$0x3FB5]  }
0x2d: {  	s3 =	simm.s32 $0x108;
	s8 =	sld [smem:$0x3FB6]  }
0x2e: {  	s3 =	simm.s32 @!p0 $0x1082;
	s9 =	sld [smem:$0x3FB7]  }
0x2f: {  	lr =	sadd.s32 s0, s3;
	s0 =	sld [smem:$0x3FAE]  }
0x30: {  	s3 =	sld [smem:$0x3FB1]  }
0x31: {  	[smem:$0x3FBA] =	sst s10  }
0x32: {  	s10 =	sld [smem:$0x3FB8];
	_ =	sdelay $0x3  }
0x33: {  	p0 =	seq.s32 s10, $0x1;
	s10 =	sld [smem:$0x3FBA];
	_ =	sdelay $0x3  }
0x34: {  	[smem:$0x3FBA] =	sst s10  }
0x35: {  	s10 =	sld [smem:$0x3FB9];
	_ =	sdelay $0x3  }
0x36: {  	p1 =	seq.s32 s10, $0x1;
	s10 =	sld [smem:$0x3FBA];
	_ =	sdelay $0x3  }
0x37: {  	[smem:$0x3FBA] =	sst s10  }
0x38: {  	s10 =	sld [smem:$0x3FBB]  }
0x39: {  	_ = 	snop;
	(pc) =	sbr.ind lr, $3  }
0x3a: {  	_ = 	snop  }
0x3b: {  	_ = 	snop  }
0x3c: {  	p2 =	seq.s32 s10, $0x1;
	s10 =	sld [smem:$0x3FBA]  }
0x3d: {  	_ =	shalt  }
0x3e: {  	_ =	shalt  }
0x3f: {  	_ =	shalt  }
0x40: {  	_ =	shalt  }
0x41: {  	_ =	shalt  }
0x42: {  	_ =	shalt  }
0x43: {  	_ =	shalt  }
0x44: {  	_ =	shalt  }
0x45: {  	_ =	shalt  }
0x46: {  	_ =	shalt  }
0x47: {  	_ =	shalt  }
0x48: {  	_ =	shalt  }
0x49: {  	_ =	shalt  }
0x4a: {  	_ =	shalt  }
0x4b: {  	_ =	shalt  }
0x4c: {  	_ =	shalt  }
0x4d: {  	_ =	shalt  }
0x4e: {  	_ =	shalt  }
0x4f: {  	_ =	shalt  }
0x50: {  	_ =	shalt  }
0x51: {  	_ =	shalt  }
0x52: {  	_ =	shalt  }
0x53: {  	_ =	shalt  }
0x54: {  	_ =	shalt  }
0x55: {  	_ =	shalt  }
0x56: {  	_ =	shalt  }
0x57: {  	_ =	shalt  }
0x58: {  	_ =	shalt  }
0x59: {  	_ =	shalt  }
0x5a: {  	_ =	shalt  }
0x5b: {  	_ =	shalt  }
0x5c: {  	_ =	shalt  }
0x5d: {  	_ =	shalt  }
0x5e: {  	_ =	shalt  }
0x5f: {  	_ =	shalt  }
0x60: {  	_ =	shalt  }
0x61: {  	_ =	shalt  }
0x62: {  	_ =	shalt  }
0x63: {  	_ =	shalt  }
0x64: {  	_ =	shalt  }
0x65: {  	_ =	shalt  }
0x66: {  	_ =	shalt  }
0x67: {  	_ =	shalt  }
0x68: {  	_ =	shalt  }
0x69: {  	_ =	shalt  }
0x6a: {  	_ =	shalt  }
0x6b: {  	_ =	shalt  }
0x6c: {  	_ =	shalt  }
0x6d: {  	_ =	shalt  }
0x6e: {  	_ =	shalt  }
0x6f: {  	_ =	shalt  }
0x70: {  	_ =	shalt  }
0x71: {  	_ =	shalt  }
0x72: {  	_ =	shalt  }
0x73: {  	_ =	shalt  }
0x74: {  	_ =	shalt  }
0x75: {  	_ =	shalt  }
0x76: {  	_ =	shalt  }
0x77: {  	_ =	shalt  }
0x78: {  	_ =	shalt  }
0x79: {  	_ =	shalt  }
0x7a: {  	_ =	shalt  }
0x7b: {  	_ =	shalt  }
0x7c: {  	_ =	shalt  }
0x7d: {  	_ =	shalt  }
0x7e: {  	_ =	shalt  }
0x7f: {  	_ =	shalt  }
0x80: {  	_ =	shalt  }
0x81: {  	_ =	shalt  }
0x82: {  	_ =	shalt  }
0x83: {  	_ =	shalt  }
0x84: {  	_ =	shalt  }
0x85: {  	_ =	shalt  }
0x86: {  	_ =	shalt  }
0x87: {  	_ =	shalt  }
.Lfunc_end0:
.L_simem_size_0:
called_computation_lowered:
.L_overlay_start_0:
0x88: {  	s2 =	sld [smem:$0x3FD9]  }
0x89: {  	s3 =	sld [smem:$0x3FFE];
	_ =	sdelay $0x1  }
0x8a: {  	s1 =	srdreg.scid  }
0x8b: {  	s0 =	sand.u32 $0x1, s1  }
0x8c: {  	s17 =	sshll.u32 s0, $0xA;
	s2 =	sadd.s32 s3, s2  }
0x8d: {  	s2 =	sadd.s32 s2, s17  }
0x8e: {  	[smem:$0x3FC6] =	sst s2  }
0x8f: {  	_ = 	snop  }
0x90: {  	s2 =	sld [smem:$0x3FD0];
	(tm) =	ssettm $0x1  }
0x91: {  	s18 =	sld [smem:$0x3FFB];
	_ =	sdelay $0x3  }
0x92: {  	_ =	strace s18  }
0x93: {  	s3 =	sld [smem:$0x3FFC];
	_ =	sdelay $0x3  }
0x94: {  	_ =	strace s3  }
0x95: {  	s3 =	sld [smem:$0x3FFD];
	_ =	sdelay $0x3  }
0x96: {  	_ =	strace s3  }
0x97: {  	_ =	strace $0x8FFFFFFF  }
0x98: {  	s19 =	sld [smem:$0x3FDB];
	_ =	sdelay $0x1  }
0x99: {  	s4 =	simm.s32 $_scs_section_size  }
0x9a: {  	s5 =	simm.s32 $_size__tile_overlayer_lowered;
	s6 =	simm.s32 $_tile_overlayer_lowered  }
0x9b: {  	s22 =	simm.s32 $0x1BFF;
	s21 =	sshll.u32 s6, $0x1;
	s3 =	sadd.s32 s4, s19  }
0x9c: {  	s7 =	simm.s32 $0x0;
	s20 =	sshll.u32 s5, $0x1;
	s5 =	sadd.s32 s21, s3  }
0x9d: {  	[timem:s7], [sflag:s22] =	dma.local [hbm:s5], s20  }
0x9e: {  	_ =	swait.ge [sflag:s22], s20  }
0x9f: {  	s4 =	ssub.s32 $0x0, s20;
	[sflag:s22] =	ssyncset.done $0x0  }
0xa0: {  	[sflag:s22] =	ssyncadd.s32 s4;
	_ =	sdelay $0x1  }
0xa1: {  	s23 =	simm.s32 $0x1B8B  }
0xa2: {  	_ =	swait.ge [sflag:s23], $0x1  }
0xa3: {  	[sflag:s23] =	ssyncset.done $0x0  }
0xa4: {  	s25 =	simm.s32 $0x1B8E;
	s24 =	sld [smem:$0x3FFE];
	[sflag:s23] =	ssyncadd.s32 $0xFFFFFFFF  }
0xa5: {  	s26 =	simm.s32 $execute0_lowered;
	[smem:$0x3FD2] =	sst s25  }
0xa6: {  	s5 =	sshll.u32 s26, $0x1;
	_ =	strace $0x80000046;
	[dreg:$0x1] =	wrdreg $0xFFFFFFFF  }
0xa7: {  	s28 =	simm.s32 $_size_execute0_lowered;
	s3 =	sadd.s32 s3, s5;
	[dreg:$0x0] =	wrdreg $0x0  }
0xa8: {  	s5 =	sshll.u32 s28, $0x1;
	[dreg:$0x2] =	wrdreg s3  }
0xa9: {  	[dreg:$0x3] =	wrdreg s5  }
0xaa: {  	[dreg:$0x4] =	wrdreg $0xC0  }
0xab: {  	_ =	task [dreg:s7], $0x5FFFF  }
0xac: {  	[dreg:$0x1] =	wrdreg $0xFFFFFFFF  }
0xad: {  	[dreg:$0x0] =	wrdreg $0x60  }
0xae: {  	[dreg:$0x2] =	wrdreg s2  }
0xaf: {  	[dreg:$0x3] =	wrdreg s24  }
0xb0: {  	[dreg:$0x4] =	wrdreg $0x9  }
0xb1: {  	_ =	task.clear_ibuf [dreg:s7], $0x5FFFF;
	_ =	strace $0x90000046  }
0xb2: {  	s29 =	simm.s32 $0x9;
	_ =	strace $0x80000048  }
0xb3: {  	_ =	swait.ge [sflag:s29], $0x1  }
0xb4: {  	[sflag:s29] =	ssyncadd.s32 $0xFFFFFFFF  }
0xb5: {  	_ =	strace $0x90000048  }
0xb6: {  	_ =	sfence  }
0xb7: {  	s30 =	sld [smem:$0x0];
	_ =	sdelay $0x2  }
0xb8: {  	s31 =	sshll.u32 s1, $0xD;
	s1 =	sshrl.u32 s1, $0x2  }
0xb9: {  	s3 =	sand.u32 $0x4000, s31;
	s1 =	sadd.s32 s1, s30  }
0xba: {  	s0 =	sor.u32 s3, s0;
	s1 =	sshll.u32 s1, $0x11  }
0xbb: {  	s0 =	sor.u32 s1, s0  }
0xbc: {  	s0 =	sadd.s32 $0x8F2B, s0  }
0xbd: {  	[sflag:s0] =	ssyncadd.remote.s32 $0x1  }
0xbe: {  	_ =	sfence.sel $0xFFFF  }
0xbf: {  	[dreg:$0x0] =	wrdreg $0xFFFFFFFF;
	(pc) =	sbr.abs _section_cstart, $3  }
0xc0: {  	[dreg:$0x1] =	wrdreg $0xFFFFFFFF  }
0xc1: {  	_ =	task.clear_ibuf [dreg:s7], $0x2FFFF;
	_ =	strace $0x9FFFFFFF  }
0xc2: {  	(tm) =	ssettm $0x7FFFFFFF  }
0xc3: {  	_ =	shalt  }
tec
execute0_lowered:
.L_overlay_start_1:
0x0: {  	(tag) =	ssettag $0x1  }
0x1: {  	s0 =	rddreg [dreg:$0x0]  }
0x2: {  	s1 =	rddreg [dreg:$0x1];
	s3 =	srdreg.scid  }
0x3: {  	s8 =	stileid.u32;
	s2 =	simm.s32 $0x0;
	s14 =	simm.s32 $0x9  }
0x4: {  	s15 =	simm.s32 $0x80;
	s16 =	simm.s32 $0x6400;
	s17 =	simm.s32 $0xA400  }
0x5: {  	s19 =	simm.s32 $0xE400;
	s28 =	simm.s32 $0x6;
	s29 =	simm.s32 $0x7  }
0x6: {  	s30 =	simm.s32 $0x8;
	s31 =	simm.s32 $0x0;
	s4 =	sand.u32 $0x1, s3  }
0x7: {  	s20 =	sshll.u32 s8, $0x1;
	[smem:$0x7FF] =	sst s2;
	s8 =	smul.u32 $0x640000, s8  }
0x8: {  	s5 =	sor.u32 s4, s20;
	s7 =	ssub.s32 $0x2, s4;
	s4 =	smul.u32 $0x320000, s4  }
0x9: {  	s3 =	sadd.s32 $0xF42A00, s1;
	s1 =	sadd.s32 $0x600, s1;
	s6 =	smul.u32 $0x320000, s5  }
0xa: {  	_ =	strace $0x80000047;
	s5 =	smul.u32 $0xC80, s5;
	s9 =	sshrl.u32 s7, $0x1  }
0xb: {  	s9 =	ssub.s32 s7, s9;
	s23 =	sadd.s32 s4, s8;
	s6 =	sshrl.u32 s6, $0x3  }
0xc: {  	s0 =	sadd.s32 s0, s5;
	s9 =	smax.u32 s9, $0x1;
	s4 =	sor.u32 $0xC000, s23  }
0xd: {  	s24 =	sor.u32 $0x8000, s23;
	s11 =	sor.u32 $0x4000, s23;
	s10 =	sadd.s32 s1, s6  }
0xe: {  	[dreg:$0x3] =	wrdreg s0;
	s4 =	sshrl.u32 s4, $0x3;
	s25 =	sshrl.u32 s24, $0x3  }
0xf: {  	s26 =	sshrl.u32 s11, $0x3;
	s0 =	sshrl.u32 s23, $0x3;
	s23 =	simm.s32 $0x2  }
0x10: {  	s24 =	simm.s32 $0x3;
	s21 =	sadd.s32 $0x62000, s10;
	s22 =	sadd.s32 $0x62800, s10  }
0x11: {  	s7 =	sadd.s32 $0x63000, s10;
	s8 =	sadd.s32 $0x63800, s10;
	s10 =	sadd.s32 s4, s1  }
0x12: {  	s11 =	sadd.s32 s25, s1;
	s12 =	sadd.s32 s26, s1;
	s13 =	sadd.s32 s0, s1  }
0x13: {  	s25 =	simm.s32 $0x4;
	s26 =	simm.s32 $0x5;
	[dreg:$0x4] =	wrdreg s21  }
0x14: {  	[dreg:$0x5] =	wrdreg s22;
	s21 =	simm.s32 $0x12400;
	s22 =	simm.s32 $0x1  }
.LBB2_1:
0x15: {  	s0 =	rddreg [dreg:$0x3]  }
0x16: {  	[tilespmem:s2], [sflag:$0x9] =	stream.linear.gather [hbm4b:s0+s2], $0x6400, $0x38;
	[tilespmem:$0x16400] =	vst v63  }
0x17: {  	_ =	swait.ge [sflag:s14], $0x6400  }
0x18: {  	[sflag:s14] =	ssyncset.done $0x0  }
0x19: {  	[sflag:s14] =	ssyncadd.s32 $0xFFFF9C00  }
0x1a: {  	[tilespmem:s16], [sflag:$0x1] =	stream.indirect.gather [hbm4b:s3+s15], $0x80, s2, s15, $0xb8;
	[tilespmem:$0x16400] =	vst v63  }
0x1b: {  	_ = 	snop  }
0x1c: {  	[tilespmem:s17], [sflag:$0x2] =	stream.indirect.gather [hbm4b:s3+s15], $0x80, s15, s15, $0xb8;
	[tilespmem:$0x16400] =	vst v63  }
0x1d: {  	s4 =	simm.s32 $0x100  }
0x1e: {  	[tilespmem:s19], [sflag:$0x3] =	stream.indirect.gather [hbm4b:s3+s15], $0x80, s4, s15, $0xb8;
	[tilespmem:$0x16400] =	vst v63  }
0x1f: {  	s5 =	simm.s32 $0x180  }
0x20: {  	[tilespmem:s21], [sflag:$0x4] =	stream.indirect.gather [hbm4b:s3+s15], $0x80, s5, s15, $0xb8;
	[tilespmem:$0x16400] =	vst v63  }
0x21: {  	_ =	swait.ge [sflag:s22], $0x4000  }
0x22: {  	[sflag:s22] =	ssyncset.done $0x0  }
0x23: {  	[sflag:s22] =	ssyncadd.s32 $0xFFFFC000  }
0x24: {  	[hbm4b:s13+s2] =	stream.linear.scatter [tilespmem:s16], [sflag:$0x5], $0x4000, $0x38;
	[tilespmem:$0x16400] =	vst v63  }
0x25: {  	_ =	swait.ge [sflag:s23], $0x4000  }
0x26: {  	[sflag:s23] =	ssyncset.done $0x0  }
0x27: {  	[sflag:s23] =	ssyncadd.s32 $0xFFFFC000  }
0x28: {  	[hbm4b:s12+s2] =	stream.linear.scatter [tilespmem:s17], [sflag:$0x6], $0x4000, $0x38;
	[tilespmem:$0x16400] =	vst v63  }
0x29: {  	_ =	swait.ge [sflag:s24], $0x4000  }
0x2a: {  	[sflag:s24] =	ssyncset.done $0x0  }
0x2b: {  	[sflag:s24] =	ssyncadd.s32 $0xFFFFC000  }
0x2c: {  	[hbm4b:s11+s2] =	stream.linear.scatter [tilespmem:s19], [sflag:$0x7], $0x4000, $0x38;
	[tilespmem:$0x16400] =	vst v63  }
0x2d: {  	_ =	swait.ge [sflag:s25], $0x4000  }
0x2e: {  	[sflag:s25] =	ssyncset.done $0x0  }
0x2f: {  	[sflag:s25] =	ssyncadd.s32 $0xFFFFC000  }
0x30: {  	[hbm4b:s10+s2] =	stream.linear.scatter [tilespmem:s21], [sflag:$0x8], $0x4000, $0x38;
	[tilespmem:$0x16400] =	vst v63  }
0x31: {  	_ =	swait.ge [sflag:s26], $0x4000  }
0x32: {  	[sflag:s26] =	ssyncset.done $0x0  }
0x33: {  	s6 =	simm.s32 $0x200;
	[sflag:s26] =	ssyncadd.s32 $0xFFFFC000  }
0x34: {  	[tilespmem:s16], [sflag:$0x1] =	stream.indirect.gather [hbm4b:s3+s15], $0x80, s6, s15, $0xb8;
	[tilespmem:$0x16400] =	vst v63  }
0x35: {  	_ =	swait.ge [sflag:s28], $0x4000  }
0x36: {  	[sflag:s28] =	ssyncset.done $0x0  }
0x37: {  	s18 =	simm.s32 $0x280;
	[sflag:s28] =	ssyncadd.s32 $0xFFFFC000  }
0x38: {  	[tilespmem:s17], [sflag:$0x2] =	stream.indirect.gather [hbm4b:s3+s15], $0x80, s18, s15, $0xb8;
	[tilespmem:$0x16400] =	vst v63  }
0x39: {  	_ =	swait.ge [sflag:s29], $0x4000  }
0x3a: {  	[sflag:s29] =	ssyncset.done $0x0  }
0x3b: {  	s20 =	simm.s32 $0x300;
	[sflag:s29] =	ssyncadd.s32 $0xFFFFC000  }
0x3c: {  	[tilespmem:s19], [sflag:$0x3] =	stream.indirect.gather [hbm4b:s3+s15], $0x80, s20, s15, $0xb8;
	[tilespmem:$0x16400] =	vst v63  }
0x3d: {  	s1 =	sadd.s32 $0x2000, s13;
	s0 =	simm.s32 $0x800;
	_ =	swait.ge [sflag:s30], $0x4000  }
0x3e: {  	s4 =	sadd.s32 $0x2000, s10;
	s5 =	simm.s32 $0x380;
	[sflag:s30] =	ssyncset.done $0x0  }
0x3f: {  	s18 =	sadd.s32 $0x2000, s11;
	s20 =	sadd.s32 $0x2000, s12;
	[sflag:s30] =	ssyncadd.s32 $0xFFFFC000  }
.LBB2_2:
0x40: {  	[tilespmem:s21], [sflag:$0x4] =	stream.indirect.gather [hbm4b:s3+s15], $0x80, s5, s15, $0xb8;
	[tilespmem:$0x16400] =	vst v63  }
0x41: {  	s5 =	smov.u32 s0  }
0x42: {  	p0 =	sne.s32 s0, $0x18000;
	s0 =	sadd.s32 $0x800, s0;
	_ =	swait.ge [sflag:s22], $0x4000  }
0x43: {  	[sflag:s22] =	ssyncset.done $0x0  }
0x44: {  	[sflag:s22] =	ssyncadd.s32 $0xFFFFC000  }
0x45: {  	[hbm4b:s1+s2] =	stream.linear.scatter [tilespmem:s16], [sflag:$0x5], $0x4000, $0x38;
	[tilespmem:$0x16400] =	vst v63  }
0x46: {  	_ =	swait.ge [sflag:s23], $0x4000  }
0x47: {  	[sflag:s23] =	ssyncset.done $0x0  }
0x48: {  	[sflag:s23] =	ssyncadd.s32 $0xFFFFC000  }
0x49: {  	[hbm4b:s20+s2] =	stream.linear.scatter [tilespmem:s17], [sflag:$0x6], $0x4000, $0x38;
	[tilespmem:$0x16400] =	vst v63  }
0x4a: {  	_ =	swait.ge [sflag:s24], $0x4000  }
0x4b: {  	[sflag:s24] =	ssyncset.done $0x0  }
0x4c: {  	[sflag:s24] =	ssyncadd.s32 $0xFFFFC000  }
0x4d: {  	[hbm4b:s18+s2] =	stream.linear.scatter [tilespmem:s19], [sflag:$0x7], $0x4000, $0x38;
	[tilespmem:$0x16400] =	vst v63  }
0x4e: {  	_ =	swait.ge [sflag:s25], $0x4000  }
0x4f: {  	[sflag:s25] =	ssyncset.done $0x0  }
0x50: {  	[sflag:s25] =	ssyncadd.s32 $0xFFFFC000  }
0x51: {  	[hbm4b:s4+s2] =	stream.linear.scatter [tilespmem:s21], [sflag:$0x8], $0x4000, $0x38;
	[tilespmem:$0x16400] =	vst v63  }
0x52: {  	_ =	swait.ge [sflag:s26], $0x4000  }
0x53: {  	s5 =	sshra.s32 s5, $0x2;
	[sflag:s26] =	ssyncset.done $0x0  }
0x54: {  	s6 =	sadd.s32 $0x200, s5;
	[sflag:s26] =	ssyncadd.s32 $0xFFFFC000  }
0x55: {  	[tilespmem:s16], [sflag:$0x1] =	stream.indirect.gather [hbm4b:s3+s15], $0x80, s6, s15, $0xb8;
	[tilespmem:$0x16400] =	vst v63  }
0x56: {  	_ =	swait.ge [sflag:s28], $0x4000  }
0x57: {  	[sflag:s28] =	ssyncset.done $0x0  }
0x58: {  	s6 =	sadd.s32 $0x280, s5;
	[sflag:s28] =	ssyncadd.s32 $0xFFFFC000  }
0x59: {  	[tilespmem:s17], [sflag:$0x2] =	stream.indirect.gather [hbm4b:s3+s15], $0x80, s6, s15, $0xb8;
	[tilespmem:$0x16400] =	vst v63  }
0x5a: {  	_ =	swait.ge [sflag:s29], $0x4000  }
0x5b: {  	[sflag:s29] =	ssyncset.done $0x0  }
.Ltmp0:
0x5c: {  	s6 =	sadd.s32 $0x300, s5;
	[sflag:s29] =	ssyncadd.s32 $0xFFFFC000;
	(pc) =	sbr.rel @p0 .LBB2_2-.Ltmp0, $4  }
0x5d: {  	[tilespmem:s19], [sflag:$0x3] =	stream.indirect.gather [hbm4b:s3+s15], $0x80, s6, s15, $0xb8;
	[tilespmem:$0x16400] =	vst v63  }
0x5e: {  	s1 =	sadd.s32 $0x2000, s1;
	_ =	swait.ge [sflag:s30], $0x4000  }
0x5f: {  	s20 =	sadd.s32 $0x2000, s20;
	s18 =	sadd.s32 $0x2000, s18;
	[sflag:s30] =	ssyncset.done $0x0  }
0x60: {  	s4 =	sadd.s32 $0x2000, s4;
	s5 =	sadd.s32 $0x380, s5;
	[sflag:s30] =	ssyncadd.s32 $0xFFFFC000  }
0x61: {  	[tilespmem:s21], [sflag:$0x4] =	stream.indirect.gather [hbm4b:s3+s15], $0x80, s5, s15, $0xb8;
	[tilespmem:$0x16400] =	vst v63  }
0x62: {  	_ =	swait.ge [sflag:s22], $0x4000  }
0x63: {  	[sflag:s22] =	ssyncset.done $0x0  }
0x64: {  	s0 =	rddreg [dreg:$0x4];
	[sflag:s22] =	ssyncadd.s32 $0xFFFFC000  }
0x65: {  	[hbm4b:s0+s2] =	stream.linear.scatter [tilespmem:s16], [sflag:$0x5], $0x4000, $0x38;
	[tilespmem:$0x16400] =	vst v63  }
0x66: {  	_ =	swait.ge [sflag:s23], $0x4000  }
0x67: {  	[sflag:s23] =	ssyncset.done $0x0  }
0x68: {  	s20 =	rddreg [dreg:$0x5];
	[sflag:s23] =	ssyncadd.s32 $0xFFFFC000  }
0x69: {  	[hbm4b:s20+s2] =	stream.linear.scatter [tilespmem:s17], [sflag:$0x6], $0x4000, $0x38;
	[tilespmem:$0x16400] =	vst v63  }
0x6a: {  	_ =	swait.ge [sflag:s24], $0x4000  }
0x6b: {  	[sflag:s24] =	ssyncset.done $0x0  }
0x6c: {  	[sflag:s24] =	ssyncadd.s32 $0xFFFFC000  }
0x6d: {  	[hbm4b:s7+s2] =	stream.linear.scatter [tilespmem:s19], [sflag:$0x7], $0x4000, $0x38;
	[tilespmem:$0x16400] =	vst v63  }
0x6e: {  	_ =	swait.ge [sflag:s25], $0x4000  }
0x6f: {  	[sflag:s25] =	ssyncset.done $0x0  }
0x70: {  	[sflag:s25] =	ssyncadd.s32 $0xFFFFC000  }
0x71: {  	[hbm4b:s8+s2] =	stream.linear.scatter [tilespmem:s21], [sflag:$0x8], $0x4000, $0x38;
	[tilespmem:$0x16400] =	vst v63  }
0x72: {  	_ =	swait.ge [sflag:s26], $0x4000  }
0x73: {  	[sflag:s26] =	ssyncset.done $0x0  }
0x74: {  	[sflag:s26] =	ssyncadd.s32 $0xFFFFC000  }
0x75: {  	_ =	swait.ge [sflag:s28], $0x4000  }
0x76: {  	[sflag:s28] =	ssyncset.done $0x0  }
0x77: {  	s31 =	sadd.s32 $0x1, s31;
	[sflag:s28] =	ssyncadd.s32 $0xFFFFC000  }
0x78: {  	p0 =	sne.s32 s31, s9;
	_ =	swait.ge [sflag:s29], $0x4000  }
.Ltmp1:
0x79: {  	[sflag:s29] =	ssyncset.done $0x0;
	(pc) =	sbr.rel @p0 .LBB2_1-.Ltmp1, $4  }
0x7a: {  	[sflag:s29] =	ssyncadd.s32 $0xFFFFC000  }
0x7b: {  	_ =	swait.ge [sflag:s30], $0x4000  }
0x7c: {  	[sflag:s30] =	ssyncset.done $0x0  }
0x7d: {  	[sflag:s30] =	ssyncadd.s32 $0xFFFFC000  }
0x7e: {  	_ =	sfence.sel $0x180000  }
0x7f: {  	[bflag:$0x0] =	sbarrier.arrive $0xFFFF  }
0x80: {  	_ =	strace $0x90000047  }
0x81: {  	s0 =	stileid.u32;
	[bflag:$0x2] =	sbarrier.arrive $0xFFFF  }
0x82: {  	p0 =	sne.s32 s0, $0x0;
	s0 =	rddreg [dreg:$0x2]  }
0x83: {  	s0 =	sadd.s32 @!p0 $0x100000, s0  }
0x84: {  	[sflag:s0] =	ssyncadd.tile.s32 @!p0 $0x1;
	_ =	shalt  }
.Lfunc_end2:
_tile_overlayer_lowered:
.L_overlay_start_2:
0x85: {  	(tag) =	ssettag $0x2  }
0x86: {  	s0 =	rddreg [dreg:$0x0];
	s2 =	stileid.u32  }
0x87: {  	s1 =	rddreg [dreg:$0x1];
	p0 =	sne.s32 s2, $0x0  }
0x88: {  	s3 =	rddreg [dreg:$0x2];
	[bflag:$0x3] =	sbarrier.arrive $0xFFFF;
	s2 =	simm.s32 @!p0 $0x1C09  }
0x89: {  	[timem:s3], [sflag:s2] =	dma.local @!p0 [hbm:s0], s1  }
0x8a: {  	s0 =	simm.s32 @!p0 $0x9  }
0x8b: {  	_ =	swait.ge @!p0 [sflag:s0], s1  }
0x8c: {  	s1 =	ssub.s32 @!p0 $0x0, s1;
	[sflag:s0] =	ssyncset.done @!p0 $0x0  }
0x8d: {  	[sflag:s0] =	ssyncadd.s32 @!p0 s1  }
0x8e: {  	[bflag:$0x3] =	sbarrier.arrive $0xFFFF  }
0x8f: {  	_ =	shalt  }

</sc_bundles>
